<compile_context>
chip_gen: v7x
topology: tpu7x:2x2x1
jax: 0.10.2.dev20260603
libtpu: 0.0.44.dev20260713+nightly
codegen_flags: <defaults>
</compile_context>

<pallas_src>
import functools

import jax
import jax.numpy as jnp
from jax import lax
from jax.experimental import pallas as pl
from jax.experimental.pallas import tpu as pltpu
from jax.experimental.pallas import tpu_sc as plsc

B, A, C = 16, 8732, 80
FLAT = A * C
NC, NS, L = 2, 16, 16
HALF = FLAT // 2
CHUNK = 16 * 2183
NCHUNK = HALF // CHUNK
NB = 2048


def _tc_body(lp_ref, lt_ref, cp_ref, ct_ref, an_ref, cl_ref, s_ref):
    lp = lp_ref[0]
    lt = lt_ref[0]
    x = cp_ref[0]
    t = ct_ref[0]
    an = an_ref[...]

    posf = (t > 0).astype(jnp.float32)
    np_loc = jnp.sum(posf)

    diff = lp - lt
    ad = jnp.abs(diff)
    sl1 = jnp.where(ad < 1.0, 0.5 * diff * diff, ad - 0.5)
    loc_num = jnp.sum(sl1 * posf)

    acx, acy = an[0:1], an[1:2]
    aw, ah = an[2:3], an[3:4]

    def decode(d):
        cx = d[0:1] * 0.1 * aw + acx
        cy = d[1:2] * 0.1 * ah + acy
        w = jnp.exp(d[2:3] * 0.2) * aw
        h = jnp.exp(d[3:4] * 0.2) * ah
        return cx - w / 2.0, cy - h / 2.0, cx + w / 2.0, cy + h / 2.0

    px1, py1, px2, py2 = decode(lp)
    qx1, qy1, qx2, qy2 = decode(lt)
    wx = jnp.maximum(jnp.minimum(px2, qx2) - jnp.maximum(px1, qx1), 0.0)
    wy = jnp.maximum(jnp.minimum(py2, qy2) - jnp.maximum(py1, qy1), 0.0)
    inter = wx * wy
    a1 = (px2 - px1) * (py2 - py1)
    a2 = (qx2 - qx1) * (qy2 - qy1)
    iou = inter / (a1 + a2 - inter + 1e-9)
    iou_num = jnp.sum(iou * posf)

    cls = lax.broadcasted_iota(jnp.int32, (A, C), 1) + 1
    oh = cls == t.reshape(A, 1)
    ohf = oh.astype(jnp.float32)
    bce = jnp.maximum(x, 0.0) - x * ohf + jnp.log1p(jnp.exp(-jnp.abs(x)))
    np_conf = jnp.sum(ohf)
    pos_bce = jnp.sum(bce * ohf)
    cl_ref[0] = jnp.where(oh, 0.0, bce)

    li = lax.broadcasted_iota(jnp.int32, (1, 8), 1)
    vals = (jnp.where(li == 0, np_loc, 0.0)
            + jnp.where(li == 1, np_conf, 0.0)
            + jnp.where(li == 2, pos_bce, 0.0)
            + jnp.where(li == 3, loc_num, 0.0)
            + jnp.where(li == 4, iou_num, 0.0))
    s_ref[0] = vals


_tc_call = pl.pallas_call(
    _tc_body,
    grid=(B,),
    in_specs=[
        pl.BlockSpec((1, 4, A), lambda b: (b, 0, 0)),
        pl.BlockSpec((1, 4, A), lambda b: (b, 0, 0)),
        pl.BlockSpec((1, A, C), lambda b: (b, 0, 0)),
        pl.BlockSpec((1, 1, A), lambda b: (b, 0, 0)),
        pl.BlockSpec((4, A), lambda b: (0, 0)),
    ],
    out_specs=[
        pl.BlockSpec((1, A, C), lambda b: (b, 0, 0)),
        pl.BlockSpec((1, 1, 8), lambda b: (b, 0, 0)),
    ],
    out_shape=[
        jax.ShapeDtypeStruct((B, A, C), jnp.float32),
        jax.ShapeDtypeStruct((B, 1, 8), jnp.float32),
    ],
)


@functools.lru_cache(maxsize=None)
def _make_sc(kshift, fshift, filtered):
    mesh = plsc.VectorSubcoreMesh(core_axis_name="c", subcore_axis_name="s",
                                  num_cores=NC, num_subcores=NS)

    @functools.partial(
        pl.kernel,
        out_type=jax.ShapeDtypeStruct((NC * NS, 2, NB * L), jnp.float32),
        mesh=mesh,
        compiler_params=pltpu.CompilerParams(needs_layout_passes=False),
        scratch_types=[
            pltpu.VMEM((CHUNK,), jnp.float32),
            pltpu.VMEM((L,), jnp.int32),
            pltpu.VMEM((NB * L,), jnp.float32),
            pltpu.VMEM((NB * L,), jnp.float32),
        ],
    )
    def sc_k(cl_hbm, fv_hbm, hist_hbm, chunk_v, fv_v, cnt_v, sm_v):
        c = lax.axis_index("c")
        s = lax.axis_index("s")
        row = s
        zeros16 = jnp.zeros((L,), jnp.float32)
        ones16 = jnp.ones((L,), jnp.float32)
        lane = lax.broadcasted_iota(jnp.int32, (L,), 0)

        def zb(i, carry):
            cnt_v[pl.ds(i * L, L)] = zeros16
            sm_v[pl.ds(i * L, L)] = zeros16
            return carry
        lax.fori_loop(0, NB, zb, 0)

        pltpu.sync_copy(fv_hbm.at[row], fv_v)
        fv = fv_v[...]

        base = row * FLAT + c * HALF

        def group(g):
            v = chunk_v[pl.ds(g * L, L)]
            bits = lax.bitcast_convert_type(v, jnp.int32)
            bkt = jnp.bitwise_and(jnp.right_shift(bits, kshift), NB - 1)
            slot = bkt * L + lane
            if filtered:
                keep = jnp.right_shift(bits, fshift) == fv
                plsc.addupdate_scatter(cnt_v, [slot], ones16, mask=keep)
            else:
                plsc.addupdate_scatter(cnt_v, [slot], ones16)

        NG = CHUNK // L
        NG4 = NG // 4

        def cb(ci, carry):
            off = pl.multiple_of(base + ci * CHUNK, 8)
            pltpu.sync_copy(cl_hbm.at[pl.ds(off, CHUNK)], chunk_v)

            def gb4(i, inner):
                for j in range(4):
                    group(i * 4 + j)
                return inner
            lax.fori_loop(0, 1, gb4, 0)

            def gb1(i, inner):
                group(i)
                return inner
            lax.fori_loop(NG4 * 4, NG, gb1, 0)
            return carry
        lax.fori_loop(0, 1, cb, 0)

        w = s * NC + c
        pltpu.sync_copy(cnt_v, hist_hbm.at[w, 0])
        pltpu.sync_copy(sm_v, hist_hbm.at[w, 1])

    return sc_k


def _hist_reduce(hist):
    h = hist.reshape(NC * NS, 2, NB, L).sum(axis=3).reshape(B, NC, 2, NB)
    return h[:, :, 0, :].sum(axis=1), h[:, :, 1, :].sum(axis=1)


def _select(counts, sums, k):
    cc = counts[:, ::-1]
    ss = sums[:, ::-1]
    cum = jnp.cumsum(cc, axis=1)
    j = jnp.argmax(cum >= k[:, None], axis=1)[:, None]
    cnt_at = jnp.take_along_axis(cc, j, 1)[:, 0]
    sum_at = jnp.take_along_axis(ss, j, 1)[:, 0]
    c_above = jnp.take_along_axis(cum, j, 1)[:, 0] - cnt_at
    s_above = jnp.take_along_axis(jnp.cumsum(ss, axis=1), j, 1)[:, 0] - sum_at
    bucket = (NB - 1) - j[:, 0]
    return bucket, c_above, s_above, cnt_at, sum_at


def kernel(loc_preds, loc_targets, conf_preds, conf_targets, anchors):
    lp_t = loc_preds.transpose(0, 2, 1)
    lt_t = loc_targets.transpose(0, 2, 1)
    an_t = anchors.T
    ct3 = conf_targets.reshape(B, 1, A)

    cl, s = _tc_call(lp_t, lt_t, conf_preds, ct3, an_t)
    s = s.reshape(B, 8)
    np_loc, np_conf, pos_bce = s[:, 0], s[:, 1], s[:, 2]
    loc_num, iou_num = s[:, 3], s[:, 4]

    cl_flat = cl.reshape(B * FLAT)
    k = jnp.minimum(3.0 * np_conf, float(A - 1))

    fv1 = jnp.zeros((L, L), jnp.int32)
    c1, s1 = _hist_reduce(_make_sc(20, 31, False)(cl_flat, fv1))
    b1, ca1, sa1, _, _ = _select(c1, s1, k)

    fv2 = jnp.broadcast_to(b1.astype(jnp.int32)[:, None], (L, L))
    c2, s2 = _hist_reduce(_make_sc(9, 20, True)(cl_flat, fv2))
    kk = k - ca1
    _, ca2, sa2, cnt2, sum2 = _select(c2, s2, kk)
    kk2 = kk - ca2
    topk = sa1 + sa2 + kk2 * sum2 / jnp.maximum(cnt2, 1.0)

    npb = jnp.sum(np_loc)
    loc_loss = jnp.sum(loc_num) / (npb * 4.0)
    iou_mean = jnp.sum(iou_num) / npb
    conf_loss = ((jnp.sum(pos_bce) + jnp.sum(topk))
                 / (jnp.sum(np_conf) + jnp.sum(k)))
    return loc_loss.reshape(-1), conf_loss.reshape(-1), iou_mean

# --- scband reference (transcript-rebuilt; emitter-appended) ---
"""Pipeline reference for scband-multi-box-loss-22428319219884 (READ-ONLY COPY).

The authoritative reference and input builder live on the scoring server;
editing this copy changes nothing except your own understanding.
"""

import jax, jax.numpy as jnp
import numpy as np


def _decode_boxes(loc, anchors):
    a_cxcy = anchors[:, :2]
    a_wh = anchors[:, 2:]
    cxcy = loc[..., :2] * 0.1 * a_wh + a_cxcy
    wh = jnp.exp(loc[..., 2:] * 0.2) * a_wh
    return jnp.concatenate([cxcy - wh / 2.0, cxcy + wh / 2.0], axis=-1)


def _iou_elementwise(b1, b2):
    lt = jnp.maximum(b1[..., :2], b2[..., :2])
    rb = jnp.minimum(b1[..., 2:], b2[..., 2:])
    wh = jnp.clip(rb - lt, 0.0, None)
    inter = wh[..., 0] * wh[..., 1]
    a1 = (b1[..., 2] - b1[..., 0]) * (b1[..., 3] - b1[..., 1])
    a2 = (b2[..., 2] - b2[..., 0]) * (b2[..., 3] - b2[..., 1])
    return inter / (a1 + a2 - inter + 1e-9)


def _bce_logits(x, t):
    # numerically stable binary cross entropy with logits, elementwise
    return jnp.clip(x, 0.0, None) - x * t + jnp.log1p(jnp.exp(-jnp.abs(x)))


def setup_inputs(seed: int = 0):
    key = jax.random.key(seed)
    k1, k2, k3, k4, k5, k6 = jax.random.split(key, 6)
    B, A, C = 16, 8732, 80
    loc_preds = jax.random.normal(k1, (B, A, 4), dtype=jnp.float32)
    loc_targets = jax.random.normal(k2, (B, A, 4), dtype=jnp.float32)
    conf_preds = jax.random.normal(k3, (B, A, C), dtype=jnp.float32)
    conf_targets = jax.random.randint(k4, (B, A), 0, C + 1, dtype=jnp.int32)
    # decoder parameters: SSD-style anchors (cx, cy, w, h)
    cxcy = jax.random.uniform(k5, (A, 2), minval=0.0, maxval=1.0, dtype=jnp.float32)
    wh = jax.random.uniform(k6, (A, 2), minval=0.05, maxval=0.5, dtype=jnp.float32)
    anchors = jnp.concatenate([cxcy, wh], axis=1)
    return {"loc_preds": loc_preds, "loc_targets": loc_targets,
            "conf_preds": conf_preds, "conf_targets": conf_targets,
            "anchors": anchors}


def reference(loc_preds, loc_targets, conf_preds, conf_targets, anchors):
    B, A, C = conf_preds.shape
    pos = conf_targets > 0  # [B, A]
    num_pos_boxes = pos.sum()
    # SmoothL1 over positive anchors (mean over num_pos * 4 elements)
    diff = loc_preds - loc_targets
    ad = jnp.abs(diff)
    sl1 = jnp.where(ad < 1.0, 0.5 * diff * diff, ad - 0.5)
    loc_loss = jnp.sum(sl1 * pos[..., None].astype(sl1.dtype)) / (num_pos_boxes.astype(jnp.float32) * 4.0)
    # IoU statistic (decode boxes, elementwise IoU on positives)
    b1 = _decode_boxes(loc_preds, anchors)
    b2 = _decode_boxes(loc_targets, anchors)
    iou = _iou_elementwise(b1, b2)
    iou_mean = jnp.sum(iou * pos.astype(iou.dtype)) / num_pos_boxes.astype(jnp.float32)
    # one-hot targets with background dropped
    oh = jax.nn.one_hot(conf_targets, C + 1, dtype=jnp.float32)[:, :, 1:]
    pos_mask = oh > 0  # [B, A, C]
    bce = _bce_logits(conf_preds, oh)
    # hard negative mining on conf loss with positives zeroed
    cl = jnp.where(pos_mask, 0.0, bce).reshape(B, -1)
    idx = jnp.argsort(-cl, axis=1)
    rank = jnp.argsort(idx, axis=1)
    num_pos = pos_mask.reshape(B, -1).sum(axis=1)
    num_neg = jnp.minimum(3 * num_pos, A - 1)[:, None]
    neg = (rank < num_neg).reshape(B, A, C)
    mask = pos_mask | neg
    conf_loss = jnp.sum(bce * mask.astype(bce.dtype)) / jnp.sum(mask).astype(jnp.float32)
    return (loc_loss.reshape(-1), conf_loss.reshape(-1), iou_mean)

if __name__ == "__main__":
    import jax
    _d = setup_inputs()
    print(jax.jit(kernel)(*tuple(_d.values())))

</pallas_src>

<mosaic_0001>
#map = affine_map<(d0, d1) -> (0)>
#map1 = affine_map<(d0, d1) -> (0, 0)>
#map2 = affine_map<(d0, d1) -> (0, 0, 0)>
module attributes {stable_mosaic.version = 14 : i64} {
  func.func @sc_k(%arg0: i32, %arg1: i32, %arg2: memref<11176960xf32, #tpu.memory_space<hbm>>, %arg3: memref<16x16xi32, #tpu.memory_space<hbm>>, %arg4: memref<32x2x32768xf32, #tpu.memory_space<hbm>>, %arg5: memref<34928xf32, #tpu.memory_space<vmem>>, %arg6: memref<16xi32, #tpu.memory_space<vmem>>, %arg7: memref<32768xf32, #tpu.memory_space<vmem>>, %arg8: memref<32768xf32, #tpu.memory_space<vmem>>) attributes {dimension_semantics = [#tpu.dimension_semantics<core_parallel>, #tpu.dimension_semantics<subcore_parallel>], iteration_bounds = array<i64: 2, 16>, scalar_prefetch = 0 : i64, scratch_operands = 4 : i64, tpu.core_type = #tpu.core_type<sc_vector_subcore>, window_params = [{transform_indices = #map}, {transform_indices = #map1}, {transform_indices = #map2}]} {
    %broadcast_in_dim3A = arith.constant 0.000000e+00 : f32
    %broadcast_in_dim3A_0 = vector.broadcast %broadcast_in_dim3A : f32 to vector<16xf32>
    %broadcast_in_dim3A_1 = arith.constant 1.000000e+00 : f32
    %broadcast_in_dim3A_2 = vector.broadcast %broadcast_in_dim3A_1 : f32 to vector<16xf32>
    %iota3A = tpu.iota {dimensions = array<i32: 0>} : vector<16xi32>
    %scan3A = arith.constant 0 : i32
    %scan3A_3 = arith.constant 0 : i32
    %scan3A_4 = arith.constant 2048 : i32
    %scan3A_5 = arith.addi %scan3A_3, %scan3A_4 : i32
    %scan3A_6 = arith.constant 1 : i32
    scf.for %scan3A_104 = %scan3A_3 to %scan3A_5 step %scan3A_6  : i32 {
      %mul3A_105 = arith.constant 16 : i32
      %mul3A_106 = arith.muli %scan3A_104, %mul3A_105 : i32
      %swap3A = arith.index_cast %mul3A_106 : i32 to index
      %swap3A_107 = tpu.vector_load %arg7[%swap3A] {strides = array<i32>} : memref<32768xf32, #tpu.memory_space<vmem>>, vector<16xf32>,
      tpu.vector_store %arg7[%swap3A], %broadcast_in_dim3A_0 {strides = array<i32>} : memref<32768xf32, #tpu.memory_space<vmem>>, vector<16xf32>,
      %mul3A_108 = arith.constant 16 : i32
      %mul3A_109 = arith.muli %scan3A_104, %mul3A_108 : i32
      %swap3A_110 = arith.index_cast %mul3A_109 : i32 to index
      %swap3A_111 = tpu.vector_load %arg8[%swap3A_110] {strides = array<i32>} : memref<32768xf32, #tpu.memory_space<vmem>>, vector<16xf32>,
      tpu.vector_store %arg8[%swap3A_110], %broadcast_in_dim3A_0 {strides = array<i32>} : memref<32768xf32, #tpu.memory_space<vmem>>, vector<16xf32>,
    }
    %scan3A_7 = arith.constant 2048 : i32
    "tpu.region"() ({
      %run_scoped3A_104 = tpu.sem_alloc : memref<!tpu.dma_semaphore, #tpu.memory_space<semaphore_mem>>
      %dma_start3A = arith.constant 0 : i32
      %dma_start3A_105 = tpu.memref_slice %arg3[%arg1, %dma_start3A] : memref<16x16xi32, #tpu.memory_space<hbm>> -> memref<1x16xi32, #tpu.memory_space<hbm>>
      %dma_start3A_106 = tpu.memref_squeeze %dma_start3A_105 : memref<1x16xi32, #tpu.memory_space<hbm>> -> memref<16xi32, #tpu.memory_space<hbm>>
      %dma_start3A_107 = arith.constant 0 : i32
      %dma_start3A_108 = tpu.memref_slice %arg3[%arg1, %dma_start3A_107] : memref<16x16xi32, #tpu.memory_space<hbm>> -> memref<1x16xi32, #tpu.memory_space<hbm>>
      %dma_start3A_109 = tpu.memref_squeeze %dma_start3A_108 : memref<1x16xi32, #tpu.memory_space<hbm>> -> memref<16xi32, #tpu.memory_space<hbm>>
      tpu.enqueue_dma source(%dma_start3A_109 : memref<16xi32, #tpu.memory_space<hbm>>) target(%arg6 : memref<16xi32, #tpu.memory_space<vmem>>) target_semaphore(%run_scoped3A_104 : memref<!tpu.dma_semaphore, #tpu.memory_space<semaphore_mem>>)
      %dma_wait3A = arith.constant 0 : i32
      %dma_wait3A_110 = tpu.memref_slice %arg3[%arg1, %dma_wait3A] : memref<16x16xi32, #tpu.memory_space<hbm>> -> memref<1x16xi32, #tpu.memory_space<hbm>>
      %dma_wait3A_111 = tpu.memref_squeeze %dma_wait3A_110 : memref<1x16xi32, #tpu.memory_space<hbm>> -> memref<16xi32, #tpu.memory_space<hbm>>
      %dma_wait3A_112 = arith.constant 0 : i32
      %dma_wait3A_113 = tpu.memref_slice %arg3[%arg1, %dma_wait3A_112] : memref<16x16xi32, #tpu.memory_space<hbm>> -> memref<1x16xi32, #tpu.memory_space<hbm>>
      %dma_wait3A_114 = tpu.memref_squeeze %dma_wait3A_113 : memref<1x16xi32, #tpu.memory_space<hbm>> -> memref<16xi32, #tpu.memory_space<hbm>>
      tpu.wait_dma2 semaphore(%run_scoped3A_104 : memref<!tpu.dma_semaphore, #tpu.memory_space<semaphore_mem>>) src(%dma_wait3A_114 : memref<16xi32, #tpu.memory_space<hbm>>) dst(%arg6 : memref<16xi32, #tpu.memory_space<vmem>>)
      tpu.yield
    }) : () -> ()
    %get3A = arith.constant 0 : index
    %get3A_8 = tpu.vector_load %arg6[%get3A] {strides = array<i32>} : memref<16xi32, #tpu.memory_space<vmem>>, vector<16xi32>,
    %mul3A = arith.constant 698560 : i32
    %mul3A_9 = arith.muli %arg1, %mul3A : i32
    %mul3A_10 = arith.constant 349280 : i32
    %mul3A_11 = arith.muli %arg0, %mul3A_10 : i32
    %add3A = arith.addi %mul3A_9, %mul3A_11 : i32
    %scan3A_12 = arith.constant 0 : i32
    %scan3A_13 = arith.constant 0 : i32
    %mul3A_14 = arith.constant 34928 : i32
    %mul3A_15 = arith.muli %scan3A_13, %mul3A_14 : i32
    %add3A_16 = arith.addi %add3A, %mul3A_15 : i32
    %multiple_of3A = tpu.assume_multiple %add3A_16, 8 : i32
    "tpu.region"() ({
      %run_scoped3A_104 = tpu.sem_alloc : memref<!tpu.dma_semaphore, #tpu.memory_space<semaphore_mem>>
      %dma_start3A = tpu.memref_slice %arg2[%multiple_of3A] : memref<11176960xf32, #tpu.memory_space<hbm>> -> memref<34928xf32, #tpu.memory_space<hbm>>
      %dma_start3A_105 = tpu.memref_slice %arg2[%multiple_of3A] : memref<11176960xf32, #tpu.memory_space<hbm>> -> memref<34928xf32, #tpu.memory_space<hbm>>
      tpu.enqueue_dma source(%dma_start3A_105 : memref<34928xf32, #tpu.memory_space<hbm>>) target(%arg5 : memref<34928xf32, #tpu.memory_space<vmem>>) target_semaphore(%run_scoped3A_104 : memref<!tpu.dma_semaphore, #tpu.memory_space<semaphore_mem>>)
      %dma_wait3A = tpu.memref_slice %arg2[%multiple_of3A] : memref<11176960xf32, #tpu.memory_space<hbm>> -> memref<34928xf32, #tpu.memory_space<hbm>>
      %dma_wait3A_106 = tpu.memref_slice %arg2[%multiple_of3A] : memref<11176960xf32, #tpu.memory_space<hbm>> -> memref<34928xf32, #tpu.memory_space<hbm>>
      tpu.wait_dma2 semaphore(%run_scoped3A_104 : memref<!tpu.dma_semaphore, #tpu.memory_space<semaphore_mem>>) src(%dma_wait3A_106 : memref<34928xf32, #tpu.memory_space<hbm>>) dst(%arg5 : memref<34928xf32, #tpu.memory_space<vmem>>)
      tpu.yield
    }) : () -> ()
    %scan3A_17 = arith.constant 0 : i32
    %scan3A_18 = arith.constant 0 : i32
    %mul3A_19 = arith.constant 4 : i32
    %mul3A_20 = arith.muli %scan3A_18, %mul3A_19 : i32
    %add3A_21 = arith.constant 0 : i32
    %add3A_22 = arith.addi %mul3A_20, %add3A_21 : i32
    %mul3A_23 = arith.constant 16 : i32
    %mul3A_24 = arith.muli %add3A_22, %mul3A_23 : i32
    %get3A_25 = arith.index_cast %mul3A_24 : i32 to index
    %get3A_26 = tpu.vector_load %arg5[%get3A_25] {strides = array<i32>} : memref<34928xf32, #tpu.memory_space<vmem>>, vector<16xf32>,
    %bitcast_convert_type3A = tpu.bitcast %get3A_26 : vector<16xf32> -> vector<16xi32>
    %shift_right_arithmetic3A = arith.constant 20 : i32
    %shift_right_arithmetic3A_27 = vector.broadcast %shift_right_arithmetic3A : i32 to vector<16xi32>
    %shift_right_arithmetic3A_28 = arith.shrsi %bitcast_convert_type3A, %shift_right_arithmetic3A_27 : vector<16xi32>
    %and3A = arith.constant 2047 : i32
    %and3A_29 = vector.broadcast %and3A : i32 to vector<16xi32>
    %and3A_30 = arith.andi %shift_right_arithmetic3A_28, %and3A_29 : vector<16xi32>
    %mul3A_31 = arith.constant 16 : i32
    %mul3A_32 = vector.broadcast %mul3A_31 : i32 to vector<16xi32>
    %mul3A_33 = arith.muli %and3A_30, %mul3A_32 : vector<16xi32>
    %add3A_34 = arith.addi %mul3A_33, %iota3A : vector<16xi32>
    tpu.vector_store_idx %arg7[%add3A_34], %broadcast_in_dim3A_2 {add = true} : memref<32768xf32, #tpu.memory_space<vmem>>[vector<16xi32>], vector<16xf32>,
    %mul3A_35 = arith.constant 4 : i32
    %mul3A_36 = arith.muli %scan3A_18, %mul3A_35 : i32
    %add3A_37 = arith.constant 1 : i32
    %add3A_38 = arith.addi %mul3A_36, %add3A_37 : i32
    %mul3A_39 = arith.constant 16 : i32
    %mul3A_40 = arith.muli %add3A_38, %mul3A_39 : i32
    %get3A_41 = arith.index_cast %mul3A_40 : i32 to index
    %get3A_42 = tpu.vector_load %arg5[%get3A_41] {strides = array<i32>} : memref<34928xf32, #tpu.memory_space<vmem>>, vector<16xf32>,
    %bitcast_convert_type3A_43 = tpu.bitcast %get3A_42 : vector<16xf32> -> vector<16xi32>
    %shift_right_arithmetic3A_44 = arith.constant 20 : i32
    %shift_right_arithmetic3A_45 = vector.broadcast %shift_right_arithmetic3A_44 : i32 to vector<16xi32>
    %shift_right_arithmetic3A_46 = arith.shrsi %bitcast_convert_type3A_43, %shift_right_arithmetic3A_45 : vector<16xi32>
    %and3A_47 = arith.constant 2047 : i32
    %and3A_48 = vector.broadcast %and3A_47 : i32 to vector<16xi32>
    %and3A_49 = arith.andi %shift_right_arithmetic3A_46, %and3A_48 : vector<16xi32>
    %mul3A_50 = arith.constant 16 : i32
    %mul3A_51 = vector.broadcast %mul3A_50 : i32 to vector<16xi32>
    %mul3A_52 = arith.muli %and3A_49, %mul3A_51 : vector<16xi32>
    %add3A_53 = arith.addi %mul3A_52, %iota3A : vector<16xi32>
    tpu.vector_store_idx %arg7[%add3A_53], %broadcast_in_dim3A_2 {add = true} : memref<32768xf32, #tpu.memory_space<vmem>>[vector<16xi32>], vector<16xf32>,
    %mul3A_54 = arith.constant 4 : i32
    %mul3A_55 = arith.muli %scan3A_18, %mul3A_54 : i32
    %add3A_56 = arith.constant 2 : i32
    %add3A_57 = arith.addi %mul3A_55, %add3A_56 : i32
    %mul3A_58 = arith.constant 16 : i32
    %mul3A_59 = arith.muli %add3A_57, %mul3A_58 : i32
    %get3A_60 = arith.index_cast %mul3A_59 : i32 to index
    %get3A_61 = tpu.vector_load %arg5[%get3A_60] {strides = array<i32>} : memref<34928xf32, #tpu.memory_space<vmem>>, vector<16xf32>,
    %bitcast_convert_type3A_62 = tpu.bitcast %get3A_61 : vector<16xf32> -> vector<16xi32>
    %shift_right_arithmetic3A_63 = arith.constant 20 : i32
    %shift_right_arithmetic3A_64 = vector.broadcast %shift_right_arithmetic3A_63 : i32 to vector<16xi32>
    %shift_right_arithmetic3A_65 = arith.shrsi %bitcast_convert_type3A_62, %shift_right_arithmetic3A_64 : vector<16xi32>
    %and3A_66 = arith.constant 2047 : i32
    %and3A_67 = vector.broadcast %and3A_66 : i32 to vector<16xi32>
    %and3A_68 = arith.andi %shift_right_arithmetic3A_65, %and3A_67 : vector<16xi32>
    %mul3A_69 = arith.constant 16 : i32
    %mul3A_70 = vector.broadcast %mul3A_69 : i32 to vector<16xi32>
    %mul3A_71 = arith.muli %and3A_68, %mul3A_70 : vector<16xi32>
    %add3A_72 = arith.addi %mul3A_71, %iota3A : vector<16xi32>
    tpu.vector_store_idx %arg7[%add3A_72], %broadcast_in_dim3A_2 {add = true} : memref<32768xf32, #tpu.memory_space<vmem>>[vector<16xi32>], vector<16xf32>,
    %mul3A_73 = arith.constant 4 : i32
    %mul3A_74 = arith.muli %scan3A_18, %mul3A_73 : i32
    %add3A_75 = arith.constant 3 : i32
    %add3A_76 = arith.addi %mul3A_74, %add3A_75 : i32
    %mul3A_77 = arith.constant 16 : i32
    %mul3A_78 = arith.muli %add3A_76, %mul3A_77 : i32
    %get3A_79 = arith.index_cast %mul3A_78 : i32 to index
    %get3A_80 = tpu.vector_load %arg5[%get3A_79] {strides = array<i32>} : memref<34928xf32, #tpu.memory_space<vmem>>, vector<16xf32>,
    %bitcast_convert_type3A_81 = tpu.bitcast %get3A_80 : vector<16xf32> -> vector<16xi32>
    %shift_right_arithmetic3A_82 = arith.constant 20 : i32
    %shift_right_arithmetic3A_83 = vector.broadcast %shift_right_arithmetic3A_82 : i32 to vector<16xi32>
    %shift_right_arithmetic3A_84 = arith.shrsi %bitcast_convert_type3A_81, %shift_right_arithmetic3A_83 : vector<16xi32>
    %and3A_85 = arith.constant 2047 : i32
    %and3A_86 = vector.broadcast %and3A_85 : i32 to vector<16xi32>
    %and3A_87 = arith.andi %shift_right_arithmetic3A_84, %and3A_86 : vector<16xi32>
    %mul3A_88 = arith.constant 16 : i32
    %mul3A_89 = vector.broadcast %mul3A_88 : i32 to vector<16xi32>
    %mul3A_90 = arith.muli %and3A_87, %mul3A_89 : vector<16xi32>
    %add3A_91 = arith.addi %mul3A_90, %iota3A : vector<16xi32>
    tpu.vector_store_idx %arg7[%add3A_91], %broadcast_in_dim3A_2 {add = true} : memref<32768xf32, #tpu.memory_space<vmem>>[vector<16xi32>], vector<16xf32>,
    %scan3A_92 = arith.constant 1 : i32
    %scan3A_93 = arith.constant 0 : i32
    %scan3A_94 = arith.constant 2180 : i32
    %scan3A_95 = arith.constant 3 : i32
    %scan3A_96 = arith.addi %scan3A_94, %scan3A_95 : i32
    %scan3A_97 = arith.constant 1 : i32
    scf.for %scan3A_104 = %scan3A_94 to %scan3A_96 step %scan3A_97  : i32 {
      %mul3A_105 = arith.constant 16 : i32
      %mul3A_106 = arith.muli %scan3A_104, %mul3A_105 : i32
      %get3A_107 = arith.index_cast %mul3A_106 : i32 to index
      %get3A_108 = tpu.vector_load %arg5[%get3A_107] {strides = array<i32>} : memref<34928xf32, #tpu.memory_space<vmem>>, vector<16xf32>,
      %bitcast_convert_type3A_109 = tpu.bitcast %get3A_108 : vector<16xf32> -> vector<16xi32>
      %shift_right_arithmetic3A_110 = arith.constant 20 : i32
      %shift_right_arithmetic3A_111 = vector.broadcast %shift_right_arithmetic3A_110 : i32 to vector<16xi32>
      %shift_right_arithmetic3A_112 = arith.shrsi %bitcast_convert_type3A_109, %shift_right_arithmetic3A_111 : vector<16xi32>
      %and3A_113 = arith.constant 2047 : i32
      %and3A_114 = vector.broadcast %and3A_113 : i32 to vector<16xi32>
      %and3A_115 = arith.andi %shift_right_arithmetic3A_112, %and3A_114 : vector<16xi32>
      %mul3A_116 = arith.constant 16 : i32
      %mul3A_117 = vector.broadcast %mul3A_116 : i32 to vector<16xi32>
      %mul3A_118 = arith.muli %and3A_115, %mul3A_117 : vector<16xi32>
      %add3A_119 = arith.addi %mul3A_118, %iota3A : vector<16xi32>
      tpu.vector_store_idx %arg7[%add3A_119], %broadcast_in_dim3A_2 {add = true} : memref<32768xf32, #tpu.memory_space<vmem>>[vector<16xi32>], vector<16xf32>,
    }
    %scan3A_98 = arith.constant 3 : i32
    %scan3A_99 = arith.constant 1 : i32
    %mul3A_100 = arith.constant 2 : i32
    %mul3A_101 = arith.muli %arg1, %mul3A_100 : i32
    %add3A_102 = arith.addi %mul3A_101, %arg0 : i32
    %run_scoped3A = arith.constant 0 : i32
    "tpu.region"() ({
      %run_scoped3A_104 = tpu.sem_alloc : memref<!tpu.dma_semaphore, #tpu.memory_space<semaphore_mem>>
      %dma_start3A = arith.constant 0 : i32
      %dma_start3A_105 = tpu.memref_slice %arg4[%add3A_102, %run_scoped3A, %dma_start3A] : memref<32x2x32768xf32, #tpu.memory_space<hbm>> -> memref<1x1x32768xf32, #tpu.memory_space<hbm>>
      %dma_start3A_106 = tpu.memref_squeeze %dma_start3A_105 : memref<1x1x32768xf32, #tpu.memory_space<hbm>> -> memref<32768xf32, #tpu.memory_space<hbm>>
      %dma_start3A_107 = arith.constant 0 : i32
      %dma_start3A_108 = tpu.memref_slice %arg4[%add3A_102, %run_scoped3A, %dma_start3A_107] : memref<32x2x32768xf32, #tpu.memory_space<hbm>> -> memref<1x1x32768xf32, #tpu.memory_space<hbm>>
      %dma_start3A_109 = tpu.memref_squeeze %dma_start3A_108 : memref<1x1x32768xf32, #tpu.memory_space<hbm>> -> memref<32768xf32, #tpu.memory_space<hbm>>
      tpu.enqueue_dma source(%arg7 : memref<32768xf32, #tpu.memory_space<vmem>>) target(%dma_start3A_109 : memref<32768xf32, #tpu.memory_space<hbm>>) target_semaphore(%run_scoped3A_104 : memref<!tpu.dma_semaphore, #tpu.memory_space<semaphore_mem>>)
      %dma_wait3A = arith.constant 0 : i32
      %dma_wait3A_110 = tpu.memref_slice %arg4[%add3A_102, %run_scoped3A, %dma_wait3A] : memref<32x2x32768xf32, #tpu.memory_space<hbm>> -> memref<1x1x32768xf32, #tpu.memory_space<hbm>>
      %dma_wait3A_111 = tpu.memref_squeeze %dma_wait3A_110 : memref<1x1x32768xf32, #tpu.memory_space<hbm>> -> memref<32768xf32, #tpu.memory_space<hbm>>
      %dma_wait3A_112 = arith.constant 0 : i32
      %dma_wait3A_113 = tpu.memref_slice %arg4[%add3A_102, %run_scoped3A, %dma_wait3A_112] : memref<32x2x32768xf32, #tpu.memory_space<hbm>> -> memref<1x1x32768xf32, #tpu.memory_space<hbm>>
      %dma_wait3A_114 = tpu.memref_squeeze %dma_wait3A_113 : memref<1x1x32768xf32, #tpu.memory_space<hbm>> -> memref<32768xf32, #tpu.memory_space<hbm>>
      tpu.wait_dma2 semaphore(%run_scoped3A_104 : memref<!tpu.dma_semaphore, #tpu.memory_space<semaphore_mem>>) src(%arg7 : memref<32768xf32, #tpu.memory_space<vmem>>) dst(%dma_wait3A_114 : memref<32768xf32, #tpu.memory_space<hbm>>)
      tpu.yield
    }) : () -> ()
    %run_scoped3A_103 = arith.constant 1 : i32
    "tpu.region"() ({
      %run_scoped3A_104 = tpu.sem_alloc : memref<!tpu.dma_semaphore, #tpu.memory_space<semaphore_mem>>
      %dma_start3A = arith.constant 0 : i32
      %dma_start3A_105 = tpu.memref_slice %arg4[%add3A_102, %run_scoped3A_103, %dma_start3A] : memref<32x2x32768xf32, #tpu.memory_space<hbm>> -> memref<1x1x32768xf32, #tpu.memory_space<hbm>>
      %dma_start3A_106 = tpu.memref_squeeze %dma_start3A_105 : memref<1x1x32768xf32, #tpu.memory_space<hbm>> -> memref<32768xf32, #tpu.memory_space<hbm>>
      %dma_start3A_107 = arith.constant 0 : i32
      %dma_start3A_108 = tpu.memref_slice %arg4[%add3A_102, %run_scoped3A_103, %dma_start3A_107] : memref<32x2x32768xf32, #tpu.memory_space<hbm>> -> memref<1x1x32768xf32, #tpu.memory_space<hbm>>
      %dma_start3A_109 = tpu.memref_squeeze %dma_start3A_108 : memref<1x1x32768xf32, #tpu.memory_space<hbm>> -> memref<32768xf32, #tpu.memory_space<hbm>>
      tpu.enqueue_dma source(%arg8 : memref<32768xf32, #tpu.memory_space<vmem>>) target(%dma_start3A_109 : memref<32768xf32, #tpu.memory_space<hbm>>) target_semaphore(%run_scoped3A_104 : memref<!tpu.dma_semaphore, #tpu.memory_space<semaphore_mem>>)
      %dma_wait3A = arith.constant 0 : i32
      %dma_wait3A_110 = tpu.memref_slice %arg4[%add3A_102, %run_scoped3A_103, %dma_wait3A] : memref<32x2x32768xf32, #tpu.memory_space<hbm>> -> memref<1x1x32768xf32, #tpu.memory_space<hbm>>
      %dma_wait3A_111 = tpu.memref_squeeze %dma_wait3A_110 : memref<1x1x32768xf32, #tpu.memory_space<hbm>> -> memref<32768xf32, #tpu.memory_space<hbm>>
      %dma_wait3A_112 = arith.constant 0 : i32
      %dma_wait3A_113 = tpu.memref_slice %arg4[%add3A_102, %run_scoped3A_103, %dma_wait3A_112] : memref<32x2x32768xf32, #tpu.memory_space<hbm>> -> memref<1x1x32768xf32, #tpu.memory_space<hbm>>
      %dma_wait3A_114 = tpu.memref_squeeze %dma_wait3A_113 : memref<1x1x32768xf32, #tpu.memory_space<hbm>> -> memref<32768xf32, #tpu.memory_space<hbm>>
      tpu.wait_dma2 semaphore(%run_scoped3A_104 : memref<!tpu.dma_semaphore, #tpu.memory_space<semaphore_mem>>) src(%arg8 : memref<32768xf32, #tpu.memory_space<vmem>>) dst(%dma_wait3A_114 : memref<32768xf32, #tpu.memory_space<hbm>>)
      tpu.yield
    }) : () -> ()
    return
  }
}

#map = affine_map<(d0, d1) -> (0)>
#map1 = affine_map<(d0, d1) -> (0, 0)>
#map2 = affine_map<(d0, d1) -> (0, 0, 0)>
module attributes {stable_mosaic.version = 14 : i64} {
  func.func @sc_k(%arg0: i32, %arg1: i32, %arg2: memref<11176960xf32, #tpu.memory_space<hbm>>, %arg3: memref<16x16xi32, #tpu.memory_space<hbm>>, %arg4: memref<32x2x32768xf32, #tpu.memory_space<hbm>>, %arg5: memref<34928xf32, #tpu.memory_space<vmem>>, %arg6: memref<16xi32, #tpu.memory_space<vmem>>, %arg7: memref<32768xf32, #tpu.memory_space<vmem>>, %arg8: memref<32768xf32, #tpu.memory_space<vmem>>) attributes {dimension_semantics = [#tpu.dimension_semantics<core_parallel>, #tpu.dimension_semantics<subcore_parallel>], iteration_bounds = array<i64: 2, 16>, scalar_prefetch = 0 : i64, scratch_operands = 4 : i64, tpu.core_type = #tpu.core_type<sc_vector_subcore>, window_params = [{transform_indices = #map}, {transform_indices = #map1}, {transform_indices = #map2}]} {
    %broadcast_in_dim3A = arith.constant 0.000000e+00 : f32
    %broadcast_in_dim3A_0 = vector.broadcast %broadcast_in_dim3A : f32 to vector<16xf32>
    %broadcast_in_dim3A_1 = arith.constant 1.000000e+00 : f32
    %broadcast_in_dim3A_2 = vector.broadcast %broadcast_in_dim3A_1 : f32 to vector<16xf32>
    %iota3A = tpu.iota {dimensions = array<i32: 0>} : vector<16xi32>
    %scan3A = arith.constant 0 : i32
    %scan3A_3 = arith.constant 0 : i32
    %scan3A_4 = arith.constant 2048 : i32
    %scan3A_5 = arith.addi %scan3A_3, %scan3A_4 : i32
    %scan3A_6 = arith.constant 1 : i32
    scf.for %scan3A_119 = %scan3A_3 to %scan3A_5 step %scan3A_6  : i32 {
      %mul3A_120 = arith.constant 16 : i32
      %mul3A_121 = arith.muli %scan3A_119, %mul3A_120 : i32
      %swap3A = arith.index_cast %mul3A_121 : i32 to index
      %swap3A_122 = tpu.vector_load %arg7[%swap3A] {strides = array<i32>} : memref<32768xf32, #tpu.memory_space<vmem>>, vector<16xf32>,
      tpu.vector_store %arg7[%swap3A], %broadcast_in_dim3A_0 {strides = array<i32>} : memref<32768xf32, #tpu.memory_space<vmem>>, vector<16xf32>,
      %mul3A_123 = arith.constant 16 : i32
      %mul3A_124 = arith.muli %scan3A_119, %mul3A_123 : i32
      %swap3A_125 = arith.index_cast %mul3A_124 : i32 to index
      %swap3A_126 = tpu.vector_load %arg8[%swap3A_125] {strides = array<i32>} : memref<32768xf32, #tpu.memory_space<vmem>>, vector<16xf32>,
      tpu.vector_store %arg8[%swap3A_125], %broadcast_in_dim3A_0 {strides = array<i32>} : memref<32768xf32, #tpu.memory_space<vmem>>, vector<16xf32>,
    }
    %scan3A_7 = arith.constant 2048 : i32
    "tpu.region"() ({
      %run_scoped3A_119 = tpu.sem_alloc : memref<!tpu.dma_semaphore, #tpu.memory_space<semaphore_mem>>
      %dma_start3A = arith.constant 0 : i32
      %dma_start3A_120 = tpu.memref_slice %arg3[%arg1, %dma_start3A] : memref<16x16xi32, #tpu.memory_space<hbm>> -> memref<1x16xi32, #tpu.memory_space<hbm>>
      %dma_start3A_121 = tpu.memref_squeeze %dma_start3A_120 : memref<1x16xi32, #tpu.memory_space<hbm>> -> memref<16xi32, #tpu.memory_space<hbm>>
      %dma_start3A_122 = arith.constant 0 : i32
      %dma_start3A_123 = tpu.memref_slice %arg3[%arg1, %dma_start3A_122] : memref<16x16xi32, #tpu.memory_space<hbm>> -> memref<1x16xi32, #tpu.memory_space<hbm>>
      %dma_start3A_124 = tpu.memref_squeeze %dma_start3A_123 : memref<1x16xi32, #tpu.memory_space<hbm>> -> memref<16xi32, #tpu.memory_space<hbm>>
      tpu.enqueue_dma source(%dma_start3A_124 : memref<16xi32, #tpu.memory_space<hbm>>) target(%arg6 : memref<16xi32, #tpu.memory_space<vmem>>) target_semaphore(%run_scoped3A_119 : memref<!tpu.dma_semaphore, #tpu.memory_space<semaphore_mem>>)
      %dma_wait3A = arith.constant 0 : i32
      %dma_wait3A_125 = tpu.memref_slice %arg3[%arg1, %dma_wait3A] : memref<16x16xi32, #tpu.memory_space<hbm>> -> memref<1x16xi32, #tpu.memory_space<hbm>>
      %dma_wait3A_126 = tpu.memref_squeeze %dma_wait3A_125 : memref<1x16xi32, #tpu.memory_space<hbm>> -> memref<16xi32, #tpu.memory_space<hbm>>
      %dma_wait3A_127 = arith.constant 0 : i32
      %dma_wait3A_128 = tpu.memref_slice %arg3[%arg1, %dma_wait3A_127] : memref<16x16xi32, #tpu.memory_space<hbm>> -> memref<1x16xi32, #tpu.memory_space<hbm>>
      %dma_wait3A_129 = tpu.memref_squeeze %dma_wait3A_128 : memref<1x16xi32, #tpu.memory_space<hbm>> -> memref<16xi32, #tpu.memory_space<hbm>>
      tpu.wait_dma2 semaphore(%run_scoped3A_119 : memref<!tpu.dma_semaphore, #tpu.memory_space<semaphore_mem>>) src(%dma_wait3A_129 : memref<16xi32, #tpu.memory_space<hbm>>) dst(%arg6 : memref<16xi32, #tpu.memory_space<vmem>>)
      tpu.yield
    }) : () -> ()
    %get3A = arith.constant 0 : index
    %get3A_8 = tpu.vector_load %arg6[%get3A] {strides = array<i32>} : memref<16xi32, #tpu.memory_space<vmem>>, vector<16xi32>,
    %mul3A = arith.constant 698560 : i32
    %mul3A_9 = arith.muli %arg1, %mul3A : i32
    %mul3A_10 = arith.constant 349280 : i32
    %mul3A_11 = arith.muli %arg0, %mul3A_10 : i32
    %add3A = arith.addi %mul3A_9, %mul3A_11 : i32
    %scan3A_12 = arith.constant 0 : i32
    %scan3A_13 = arith.constant 0 : i32
    %mul3A_14 = arith.constant 34928 : i32
    %mul3A_15 = arith.muli %scan3A_13, %mul3A_14 : i32
    %add3A_16 = arith.addi %add3A, %mul3A_15 : i32
    %multiple_of3A = tpu.assume_multiple %add3A_16, 8 : i32
    "tpu.region"() ({
      %run_scoped3A_119 = tpu.sem_alloc : memref<!tpu.dma_semaphore, #tpu.memory_space<semaphore_mem>>
      %dma_start3A = tpu.memref_slice %arg2[%multiple_of3A] : memref<11176960xf32, #tpu.memory_space<hbm>> -> memref<34928xf32, #tpu.memory_space<hbm>>
      %dma_start3A_120 = tpu.memref_slice %arg2[%multiple_of3A] : memref<11176960xf32, #tpu.memory_space<hbm>> -> memref<34928xf32, #tpu.memory_space<hbm>>
      tpu.enqueue_dma source(%dma_start3A_120 : memref<34928xf32, #tpu.memory_space<hbm>>) target(%arg5 : memref<34928xf32, #tpu.memory_space<vmem>>) target_semaphore(%run_scoped3A_119 : memref<!tpu.dma_semaphore, #tpu.memory_space<semaphore_mem>>)
      %dma_wait3A = tpu.memref_slice %arg2[%multiple_of3A] : memref<11176960xf32, #tpu.memory_space<hbm>> -> memref<34928xf32, #tpu.memory_space<hbm>>
      %dma_wait3A_121 = tpu.memref_slice %arg2[%multiple_of3A] : memref<11176960xf32, #tpu.memory_space<hbm>> -> memref<34928xf32, #tpu.memory_space<hbm>>
      tpu.wait_dma2 semaphore(%run_scoped3A_119 : memref<!tpu.dma_semaphore, #tpu.memory_space<semaphore_mem>>) src(%dma_wait3A_121 : memref<34928xf32, #tpu.memory_space<hbm>>) dst(%arg5 : memref<34928xf32, #tpu.memory_space<vmem>>)
      tpu.yield
    }) : () -> ()
    %scan3A_17 = arith.constant 0 : i32
    %scan3A_18 = arith.constant 0 : i32
    %mul3A_19 = arith.constant 4 : i32
    %mul3A_20 = arith.muli %scan3A_18, %mul3A_19 : i32
    %add3A_21 = arith.constant 0 : i32
    %add3A_22 = arith.addi %mul3A_20, %add3A_21 : i32
    %mul3A_23 = arith.constant 16 : i32
    %mul3A_24 = arith.muli %add3A_22, %mul3A_23 : i32
    %get3A_25 = arith.index_cast %mul3A_24 : i32 to index
    %get3A_26 = tpu.vector_load %arg5[%get3A_25] {strides = array<i32>} : memref<34928xf32, #tpu.memory_space<vmem>>, vector<16xf32>,
    %bitcast_convert_type3A = tpu.bitcast %get3A_26 : vector<16xf32> -> vector<16xi32>
    %shift_right_arithmetic3A = arith.constant 9 : i32
    %shift_right_arithmetic3A_27 = vector.broadcast %shift_right_arithmetic3A : i32 to vector<16xi32>
    %shift_right_arithmetic3A_28 = arith.shrsi %bitcast_convert_type3A, %shift_right_arithmetic3A_27 : vector<16xi32>
    %and3A = arith.constant 2047 : i32
    %and3A_29 = vector.broadcast %and3A : i32 to vector<16xi32>
    %and3A_30 = arith.andi %shift_right_arithmetic3A_28, %and3A_29 : vector<16xi32>
    %mul3A_31 = arith.constant 16 : i32
    %mul3A_32 = vector.broadcast %mul3A_31 : i32 to vector<16xi32>
    %mul3A_33 = arith.muli %and3A_30, %mul3A_32 : vector<16xi32>
    %add3A_34 = arith.addi %mul3A_33, %iota3A : vector<16xi32>
    %shift_right_arithmetic3A_35 = arith.constant 20 : i32
    %shift_right_arithmetic3A_36 = vector.broadcast %shift_right_arithmetic3A_35 : i32 to vector<16xi32>
    %shift_right_arithmetic3A_37 = arith.shrsi %bitcast_convert_type3A, %shift_right_arithmetic3A_36 : vector<16xi32>
    %eq3A = arith.cmpi eq, %shift_right_arithmetic3A_37, %get3A_8 : vector<16xi32>
    tpu.vector_store_idx %arg7[%add3A_34], %broadcast_in_dim3A_2 masked %eq3A {add = true} : memref<32768xf32, #tpu.memory_space<vmem>>[vector<16xi32>], vector<16xf32>, vector<16xi1>
    %mul3A_38 = arith.constant 4 : i32
    %mul3A_39 = arith.muli %scan3A_18, %mul3A_38 : i32
    %add3A_40 = arith.constant 1 : i32
    %add3A_41 = arith.addi %mul3A_39, %add3A_40 : i32
    %mul3A_42 = arith.constant 16 : i32
    %mul3A_43 = arith.muli %add3A_41, %mul3A_42 : i32
    %get3A_44 = arith.index_cast %mul3A_43 : i32 to index
    %get3A_45 = tpu.vector_load %arg5[%get3A_44] {strides = array<i32>} : memref<34928xf32, #tpu.memory_space<vmem>>, vector<16xf32>,
    %bitcast_convert_type3A_46 = tpu.bitcast %get3A_45 : vector<16xf32> -> vector<16xi32>
    %shift_right_arithmetic3A_47 = arith.constant 9 : i32
    %shift_right_arithmetic3A_48 = vector.broadcast %shift_right_arithmetic3A_47 : i32 to vector<16xi32>
    %shift_right_arithmetic3A_49 = arith.shrsi %bitcast_convert_type3A_46, %shift_right_arithmetic3A_48 : vector<16xi32>
    %and3A_50 = arith.constant 2047 : i32
    %and3A_51 = vector.broadcast %and3A_50 : i32 to vector<16xi32>
    %and3A_52 = arith.andi %shift_right_arithmetic3A_49, %and3A_51 : vector<16xi32>
    %mul3A_53 = arith.constant 16 : i32
    %mul3A_54 = vector.broadcast %mul3A_53 : i32 to vector<16xi32>
    %mul3A_55 = arith.muli %and3A_52, %mul3A_54 : vector<16xi32>
    %add3A_56 = arith.addi %mul3A_55, %iota3A : vector<16xi32>
    %shift_right_arithmetic3A_57 = arith.constant 20 : i32
    %shift_right_arithmetic3A_58 = vector.broadcast %shift_right_arithmetic3A_57 : i32 to vector<16xi32>
    %shift_right_arithmetic3A_59 = arith.shrsi %bitcast_convert_type3A_46, %shift_right_arithmetic3A_58 : vector<16xi32>
    %eq3A_60 = arith.cmpi eq, %shift_right_arithmetic3A_59, %get3A_8 : vector<16xi32>
    tpu.vector_store_idx %arg7[%add3A_56], %broadcast_in_dim3A_2 masked %eq3A_60 {add = true} : memref<32768xf32, #tpu.memory_space<vmem>>[vector<16xi32>], vector<16xf32>, vector<16xi1>
    %mul3A_61 = arith.constant 4 : i32
    %mul3A_62 = arith.muli %scan3A_18, %mul3A_61 : i32
    %add3A_63 = arith.constant 2 : i32
    %add3A_64 = arith.addi %mul3A_62, %add3A_63 : i32
    %mul3A_65 = arith.constant 16 : i32
    %mul3A_66 = arith.muli %add3A_64, %mul3A_65 : i32
    %get3A_67 = arith.index_cast %mul3A_66 : i32 to index
    %get3A_68 = tpu.vector_load %arg5[%get3A_67] {strides = array<i32>} : memref<34928xf32, #tpu.memory_space<vmem>>, vector<16xf32>,
    %bitcast_convert_type3A_69 = tpu.bitcast %get3A_68 : vector<16xf32> -> vector<16xi32>
    %shift_right_arithmetic3A_70 = arith.constant 9 : i32
    %shift_right_arithmetic3A_71 = vector.broadcast %shift_right_arithmetic3A_70 : i32 to vector<16xi32>
    %shift_right_arithmetic3A_72 = arith.shrsi %bitcast_convert_type3A_69, %shift_right_arithmetic3A_71 : vector<16xi32>
    %and3A_73 = arith.constant 2047 : i32
    %and3A_74 = vector.broadcast %and3A_73 : i32 to vector<16xi32>
    %and3A_75 = arith.andi %shift_right_arithmetic3A_72, %and3A_74 : vector<16xi32>
    %mul3A_76 = arith.constant 16 : i32
    %mul3A_77 = vector.broadcast %mul3A_76 : i32 to vector<16xi32>
    %mul3A_78 = arith.muli %and3A_75, %mul3A_77 : vector<16xi32>
    %add3A_79 = arith.addi %mul3A_78, %iota3A : vector<16xi32>
    %shift_right_arithmetic3A_80 = arith.constant 20 : i32
    %shift_right_arithmetic3A_81 = vector.broadcast %shift_right_arithmetic3A_80 : i32 to vector<16xi32>
    %shift_right_arithmetic3A_82 = arith.shrsi %bitcast_convert_type3A_69, %shift_right_arithmetic3A_81 : vector<16xi32>
    %eq3A_83 = arith.cmpi eq, %shift_right_arithmetic3A_82, %get3A_8 : vector<16xi32>
    tpu.vector_store_idx %arg7[%add3A_79], %broadcast_in_dim3A_2 masked %eq3A_83 {add = true} : memref<32768xf32, #tpu.memory_space<vmem>>[vector<16xi32>], vector<16xf32>, vector<16xi1>
    %mul3A_84 = arith.constant 4 : i32
    %mul3A_85 = arith.muli %scan3A_18, %mul3A_84 : i32
    %add3A_86 = arith.constant 3 : i32
    %add3A_87 = arith.addi %mul3A_85, %add3A_86 : i32
    %mul3A_88 = arith.constant 16 : i32
    %mul3A_89 = arith.muli %add3A_87, %mul3A_88 : i32
    %get3A_90 = arith.index_cast %mul3A_89 : i32 to index
    %get3A_91 = tpu.vector_load %arg5[%get3A_90] {strides = array<i32>} : memref<34928xf32, #tpu.memory_space<vmem>>, vector<16xf32>,
    %bitcast_convert_type3A_92 = tpu.bitcast %get3A_91 : vector<16xf32> -> vector<16xi32>
    %shift_right_arithmetic3A_93 = arith.constant 9 : i32
    %shift_right_arithmetic3A_94 = vector.broadcast %shift_right_arithmetic3A_93 : i32 to vector<16xi32>
    %shift_right_arithmetic3A_95 = arith.shrsi %bitcast_convert_type3A_92, %shift_right_arithmetic3A_94 : vector<16xi32>
    %and3A_96 = arith.constant 2047 : i32
    %and3A_97 = vector.broadcast %and3A_96 : i32 to vector<16xi32>
    %and3A_98 = arith.andi %shift_right_arithmetic3A_95, %and3A_97 : vector<16xi32>
    %mul3A_99 = arith.constant 16 : i32
    %mul3A_100 = vector.broadcast %mul3A_99 : i32 to vector<16xi32>
    %mul3A_101 = arith.muli %and3A_98, %mul3A_100 : vector<16xi32>
    %add3A_102 = arith.addi %mul3A_101, %iota3A : vector<16xi32>
    %shift_right_arithmetic3A_103 = arith.constant 20 : i32
    %shift_right_arithmetic3A_104 = vector.broadcast %shift_right_arithmetic3A_103 : i32 to vector<16xi32>
    %shift_right_arithmetic3A_105 = arith.shrsi %bitcast_convert_type3A_92, %shift_right_arithmetic3A_104 : vector<16xi32>
    %eq3A_106 = arith.cmpi eq, %shift_right_arithmetic3A_105, %get3A_8 : vector<16xi32>
    tpu.vector_store_idx %arg7[%add3A_102], %broadcast_in_dim3A_2 masked %eq3A_106 {add = true} : memref<32768xf32, #tpu.memory_space<vmem>>[vector<16xi32>], vector<16xf32>, vector<16xi1>
    %scan3A_107 = arith.constant 1 : i32
    %scan3A_108 = arith.constant 0 : i32
    %scan3A_109 = arith.constant 2180 : i32
    %scan3A_110 = arith.constant 3 : i32
    %scan3A_111 = arith.addi %scan3A_109, %scan3A_110 : i32
    %scan3A_112 = arith.constant 1 : i32
    scf.for %scan3A_119 = %scan3A_109 to %scan3A_111 step %scan3A_112  : i32 {
      %mul3A_120 = arith.constant 16 : i32
      %mul3A_121 = arith.muli %scan3A_119, %mul3A_120 : i32
      %get3A_122 = arith.index_cast %mul3A_121 : i32 to index
      %get3A_123 = tpu.vector_load %arg5[%get3A_122] {strides = array<i32>} : memref<34928xf32, #tpu.memory_space<vmem>>, vector<16xf32>,
      %bitcast_convert_type3A_124 = tpu.bitcast %get3A_123 : vector<16xf32> -> vector<16xi32>
      %shift_right_arithmetic3A_125 = arith.constant 9 : i32
      %shift_right_arithmetic3A_126 = vector.broadcast %shift_right_arithmetic3A_125 : i32 to vector<16xi32>
      %shift_right_arithmetic3A_127 = arith.shrsi %bitcast_convert_type3A_124, %shift_right_arithmetic3A_126 : vector<16xi32>
      %and3A_128 = arith.constant 2047 : i32
      %and3A_129 = vector.broadcast %and3A_128 : i32 to vector<16xi32>
      %and3A_130 = arith.andi %shift_right_arithmetic3A_127, %and3A_129 : vector<16xi32>
      %mul3A_131 = arith.constant 16 : i32
      %mul3A_132 = vector.broadcast %mul3A_131 : i32 to vector<16xi32>
      %mul3A_133 = arith.muli %and3A_130, %mul3A_132 : vector<16xi32>
      %add3A_134 = arith.addi %mul3A_133, %iota3A : vector<16xi32>
      %shift_right_arithmetic3A_135 = arith.constant 20 : i32
      %shift_right_arithmetic3A_136 = vector.broadcast %shift_right_arithmetic3A_135 : i32 to vector<16xi32>
      %shift_right_arithmetic3A_137 = arith.shrsi %bitcast_convert_type3A_124, %shift_right_arithmetic3A_136 : vector<16xi32>
      %eq3A_138 = arith.cmpi eq, %shift_right_arithmetic3A_137, %get3A_8 : vector<16xi32>
      tpu.vector_store_idx %arg7[%add3A_134], %broadcast_in_dim3A_2 masked %eq3A_138 {add = true} : memref<32768xf32, #tpu.memory_space<vmem>>[vector<16xi32>], vector<16xf32>, vector<16xi1>
    }
    %scan3A_113 = arith.constant 3 : i32
    %scan3A_114 = arith.constant 1 : i32
    %mul3A_115 = arith.constant 2 : i32
    %mul3A_116 = arith.muli %arg1, %mul3A_115 : i32
    %add3A_117 = arith.addi %mul3A_116, %arg0 : i32
    %run_scoped3A = arith.constant 0 : i32
    "tpu.region"() ({
      %run_scoped3A_119 = tpu.sem_alloc : memref<!tpu.dma_semaphore, #tpu.memory_space<semaphore_mem>>
      %dma_start3A = arith.constant 0 : i32
      %dma_start3A_120 = tpu.memref_slice %arg4[%add3A_117, %run_scoped3A, %dma_start3A] : memref<32x2x32768xf32, #tpu.memory_space<hbm>> -> memref<1x1x32768xf32, #tpu.memory_space<hbm>>
      %dma_start3A_121 = tpu.memref_squeeze %dma_start3A_120 : memref<1x1x32768xf32, #tpu.memory_space<hbm>> -> memref<32768xf32, #tpu.memory_space<hbm>>
      %dma_start3A_122 = arith.constant 0 : i32
      %dma_start3A_123 = tpu.memref_slice %arg4[%add3A_117, %run_scoped3A, %dma_start3A_122] : memref<32x2x32768xf32, #tpu.memory_space<hbm>> -> memref<1x1x32768xf32, #tpu.memory_space<hbm>>
      %dma_start3A_124 = tpu.memref_squeeze %dma_start3A_123 : memref<1x1x32768xf32, #tpu.memory_space<hbm>> -> memref<32768xf32, #tpu.memory_space<hbm>>
      tpu.enqueue_dma source(%arg7 : memref<32768xf32, #tpu.memory_space<vmem>>) target(%dma_start3A_124 : memref<32768xf32, #tpu.memory_space<hbm>>) target_semaphore(%run_scoped3A_119 : memref<!tpu.dma_semaphore, #tpu.memory_space<semaphore_mem>>)
      %dma_wait3A = arith.constant 0 : i32
      %dma_wait3A_125 = tpu.memref_slice %arg4[%add3A_117, %run_scoped3A, %dma_wait3A] : memref<32x2x32768xf32, #tpu.memory_space<hbm>> -> memref<1x1x32768xf32, #tpu.memory_space<hbm>>
      %dma_wait3A_126 = tpu.memref_squeeze %dma_wait3A_125 : memref<1x1x32768xf32, #tpu.memory_space<hbm>> -> memref<32768xf32, #tpu.memory_space<hbm>>
      %dma_wait3A_127 = arith.constant 0 : i32
      %dma_wait3A_128 = tpu.memref_slice %arg4[%add3A_117, %run_scoped3A, %dma_wait3A_127] : memref<32x2x32768xf32, #tpu.memory_space<hbm>> -> memref<1x1x32768xf32, #tpu.memory_space<hbm>>
      %dma_wait3A_129 = tpu.memref_squeeze %dma_wait3A_128 : memref<1x1x32768xf32, #tpu.memory_space<hbm>> -> memref<32768xf32, #tpu.memory_space<hbm>>
      tpu.wait_dma2 semaphore(%run_scoped3A_119 : memref<!tpu.dma_semaphore, #tpu.memory_space<semaphore_mem>>) src(%arg7 : memref<32768xf32, #tpu.memory_space<vmem>>) dst(%dma_wait3A_129 : memref<32768xf32, #tpu.memory_space<hbm>>)
      tpu.yield
    }) : () -> ()
    %run_scoped3A_118 = arith.constant 1 : i32
    "tpu.region"() ({
      %run_scoped3A_119 = tpu.sem_alloc : memref<!tpu.dma_semaphore, #tpu.memory_space<semaphore_mem>>
      %dma_start3A = arith.constant 0 : i32
      %dma_start3A_120 = tpu.memref_slice %arg4[%add3A_117, %run_scoped3A_118, %dma_start3A] : memref<32x2x32768xf32, #tpu.memory_space<hbm>> -> memref<1x1x32768xf32, #tpu.memory_space<hbm>>
      %dma_start3A_121 = tpu.memref_squeeze %dma_start3A_120 : memref<1x1x32768xf32, #tpu.memory_space<hbm>> -> memref<32768xf32, #tpu.memory_space<hbm>>
      %dma_start3A_122 = arith.constant 0 : i32
      %dma_start3A_123 = tpu.memref_slice %arg4[%add3A_117, %run_scoped3A_118, %dma_start3A_122] : memref<32x2x32768xf32, #tpu.memory_space<hbm>> -> memref<1x1x32768xf32, #tpu.memory_space<hbm>>
      %dma_start3A_124 = tpu.memref_squeeze %dma_start3A_123 : memref<1x1x32768xf32, #tpu.memory_space<hbm>> -> memref<32768xf32, #tpu.memory_space<hbm>>
      tpu.enqueue_dma source(%arg8 : memref<32768xf32, #tpu.memory_space<vmem>>) target(%dma_start3A_124 : memref<32768xf32, #tpu.memory_space<hbm>>) target_semaphore(%run_scoped3A_119 : memref<!tpu.dma_semaphore, #tpu.memory_space<semaphore_mem>>)
      %dma_wait3A = arith.constant 0 : i32
      %dma_wait3A_125 = tpu.memref_slice %arg4[%add3A_117, %run_scoped3A_118, %dma_wait3A] : memref<32x2x32768xf32, #tpu.memory_space<hbm>> -> memref<1x1x32768xf32, #tpu.memory_space<hbm>>
      %dma_wait3A_126 = tpu.memref_squeeze %dma_wait3A_125 : memref<1x1x32768xf32, #tpu.memory_space<hbm>> -> memref<32768xf32, #tpu.memory_space<hbm>>
      %dma_wait3A_127 = arith.constant 0 : i32
      %dma_wait3A_128 = tpu.memref_slice %arg4[%add3A_117, %run_scoped3A_118, %dma_wait3A_127] : memref<32x2x32768xf32, #tpu.memory_space<hbm>> -> memref<1x1x32768xf32, #tpu.memory_space<hbm>>
      %dma_wait3A_129 = tpu.memref_squeeze %dma_wait3A_128 : memref<1x1x32768xf32, #tpu.memory_space<hbm>> -> memref<32768xf32, #tpu.memory_space<hbm>>
      tpu.wait_dma2 semaphore(%run_scoped3A_119 : memref<!tpu.dma_semaphore, #tpu.memory_space<semaphore_mem>>) src(%arg8 : memref<32768xf32, #tpu.memory_space<vmem>>) dst(%dma_wait3A_129 : memref<32768xf32, #tpu.memory_space<hbm>>)
      tpu.yield
    }) : () -> ()
    return
  }
}

module attributes {stable_mosaic.version = 14 : i64} {
  func.func @_tc_body(%arg0: i32, %arg1: memref<1x4x8732xf32, #tpu.memory_space<vmem>>, %arg2: memref<1x4x8732xf32, #tpu.memory_space<vmem>>, %arg3: memref<1x8732x80xf32, #tpu.memory_space<vmem>>, %arg4: memref<1x1x8732xi32, #tpu.memory_space<vmem>>, %arg5: memref<4x8732xf32, #tpu.memory_space<vmem>>, %arg6: memref<1x8732x80xf32, #tpu.memory_space<vmem>>, %arg7: memref<1x1x8xf32, #tpu.memory_space<vmem>>) attributes {dimension_semantics = [#tpu.dimension_semantics<arbitrary>], iteration_bounds = array<i64: 16>, scalar_prefetch = 0 : i64, scratch_operands = 0 : i64, tpu.core_type = #tpu.core_type<tc>, window_params = [{transform_indices = @transform_0, window_bounds = array<i64: 1, 4, 8732>}, {transform_indices = @transform_1, window_bounds = array<i64: 1, 4, 8732>}, {transform_indices = @transform_2, window_bounds = array<i64: 1, 8732, 80>}, {transform_indices = @transform_3, window_bounds = array<i64: 1, 1, 8732>}, {pipeline_mode = #tpu.pipeline_mode<synchronous>, transform_indices = @transform_4, window_bounds = array<i64: 4, 8732>}, {transform_indices = @transform_5, window_bounds = array<i64: 1, 8732, 80>}, {transform_indices = @transform_6, window_bounds = array<i64: 1, 1, 8>}]} {
    %get3A = arith.constant 0 : index
    %get3A_0 = arith.constant 0 : index
    %get3A_1 = arith.constant 0 : index
    %get3A_2 = vector.load %arg1[%get3A, %get3A_0, %get3A_1] : memref<1x4x8732xf32, #tpu.memory_space<vmem>>, vector<1x4x8732xf32>
    %get3A_3 = vector.shape_cast %get3A_2 : vector<1x4x8732xf32> to vector<4x8732xf32>
    %get3A_4 = arith.constant 0 : index
    %get3A_5 = arith.constant 0 : index
    %get3A_6 = arith.constant 0 : index
    %get3A_7 = vector.load %arg2[%get3A_4, %get3A_5, %get3A_6] : memref<1x4x8732xf32, #tpu.memory_space<vmem>>, vector<1x4x8732xf32>
    %get3A_8 = vector.shape_cast %get3A_7 : vector<1x4x8732xf32> to vector<4x8732xf32>
    %get3A_9 = arith.constant 0 : index
    %get3A_10 = arith.constant 0 : index
    %get3A_11 = arith.constant 0 : index
    %get3A_12 = vector.load %arg3[%get3A_9, %get3A_10, %get3A_11] : memref<1x8732x80xf32, #tpu.memory_space<vmem>>, vector<1x8732x80xf32>
    %get3A_13 = vector.shape_cast %get3A_12 : vector<1x8732x80xf32> to vector<8732x80xf32>
    %get3A_14 = arith.constant 0 : index
    %get3A_15 = arith.constant 0 : index
    %get3A_16 = arith.constant 0 : index
    %get3A_17 = vector.load %arg4[%get3A_14, %get3A_15, %get3A_16] : memref<1x1x8732xi32, #tpu.memory_space<vmem>>, vector<1x1x8732xi32>
    %get3A_18 = vector.shape_cast %get3A_17 : vector<1x1x8732xi32> to vector<1x8732xi32>
    %get3A_19 = arith.constant 0 : index
    %get3A_20 = arith.constant 0 : index
    %get3A_21 = vector.load %arg5[%get3A_19, %get3A_20] : memref<4x8732xf32, #tpu.memory_space<vmem>>, vector<4x8732xf32>
    %gt3A = arith.constant 0 : i32
    %gt3A_22 = vector.broadcast %gt3A : i32 to vector<1x8732xi32>
    %gt3A_23 = arith.cmpi sgt, %get3A_18, %gt3A_22 : vector<1x8732xi32>
    %convert_element_type3A = arith.extui %gt3A_23 : vector<1x8732xi1> to vector<1x8732xi32>
    %convert_element_type3A_24 = arith.sitofp %convert_element_type3A : vector<1x8732xi32> to vector<1x8732xf32>
    %reduce_sum3A = vector.shape_cast %convert_element_type3A_24 : vector<1x8732xf32> to vector<1x1x8732xf32>
    %reduce_sum3A_25 = arith.constant dense<0.000000e+00> : vector<1xf32>
    %reduce_sum3A_26 = vector.multi_reduction <add>, %reduce_sum3A, %reduce_sum3A_25 [1, 2] : vector<1x1x8732xf32> to vector<1xf32>
    %reduce_sum3A_27 = vector.shape_cast %reduce_sum3A_26 : vector<1xf32> to vector<1x1x1xf32>
    %reduce_sum3A_28 = vector.extract %reduce_sum3A_27[0, 0, 0] : f32 from vector<1x1x1xf32>
    %sub3A = arith.subf %get3A_3, %get3A_8 : vector<4x8732xf32>
    %abs3A = math.absf %sub3A : vector<4x8732xf32>
    %lt3A = arith.constant 1.000000e+00 : f32
    %lt3A_29 = vector.broadcast %lt3A : f32 to vector<4x8732xf32>
    %lt3A_30 = arith.cmpf olt, %abs3A, %lt3A_29 : vector<4x8732xf32>
    %mul3A = arith.constant 5.000000e-01 : f32
    %mul3A_31 = vector.broadcast %mul3A : f32 to vector<4x8732xf32>
    %mul3A_32 = arith.mulf %mul3A_31, %sub3A : vector<4x8732xf32>
    %mul3A_33 = arith.mulf %mul3A_32, %sub3A : vector<4x8732xf32>
    %sub3A_34 = arith.constant 5.000000e-01 : f32
    %sub3A_35 = vector.broadcast %sub3A_34 : f32 to vector<4x8732xf32>
    %sub3A_36 = arith.subf %abs3A, %sub3A_35 : vector<4x8732xf32>
    %select_n3A = arith.select %lt3A_30, %mul3A_33, %sub3A_36 : vector<4x8732xi1>, vector<4x8732xf32>
    %mul3A_37 = vector.broadcast %convert_element_type3A_24 : vector<1x8732xf32> to vector<4x8732xf32>
    %mul3A_38 = arith.mulf %select_n3A, %mul3A_37 : vector<4x8732xf32>
    %reduce_sum3A_39 = vector.shape_cast %mul3A_38 : vector<4x8732xf32> to vector<1x4x8732xf32>
    %reduce_sum3A_40 = arith.constant dense<0.000000e+00> : vector<1xf32>
    %reduce_sum3A_41 = vector.multi_reduction <add>, %reduce_sum3A_39, %reduce_sum3A_40 [1, 2] : vector<1x4x8732xf32> to vector<1xf32>
    %reduce_sum3A_42 = vector.shape_cast %reduce_sum3A_41 : vector<1xf32> to vector<1x1x1xf32>
    %reduce_sum3A_43 = vector.extract %reduce_sum3A_42[0, 0, 0] : f32 from vector<1x1x1xf32>
    %slice3A = vector.extract_strided_slice %get3A_21 {offsets = [0, 0], sizes = [1, 8732], strides = [1, 1]} : vector<4x8732xf32> to vector<1x8732xf32>
    %slice3A_44 = vector.extract_strided_slice %get3A_21 {offsets = [1, 0], sizes = [1, 8732], strides = [1, 1]} : vector<4x8732xf32> to vector<1x8732xf32>
    %slice3A_45 = vector.extract_strided_slice %get3A_21 {offsets = [2, 0], sizes = [1, 8732], strides = [1, 1]} : vector<4x8732xf32> to vector<1x8732xf32>
    %slice3A_46 = vector.extract_strided_slice %get3A_21 {offsets = [3, 0], sizes = [1, 8732], strides = [1, 1]} : vector<4x8732xf32> to vector<1x8732xf32>
    %slice3A_47 = vector.extract_strided_slice %get3A_3 {offsets = [0, 0], sizes = [1, 8732], strides = [1, 1]} : vector<4x8732xf32> to vector<1x8732xf32>
    %mul3A_48 = arith.constant 1.000000e-01 : f32
    %mul3A_49 = vector.broadcast %mul3A_48 : f32 to vector<1x8732xf32>
    %mul3A_50 = arith.mulf %slice3A_47, %mul3A_49 : vector<1x8732xf32>
    %mul3A_51 = arith.mulf %mul3A_50, %slice3A_45 : vector<1x8732xf32>
    %add3A = arith.addf %mul3A_51, %slice3A : vector<1x8732xf32>
    %slice3A_52 = vector.extract_strided_slice %get3A_3 {offsets = [1, 0], sizes = [1, 8732], strides = [1, 1]} : vector<4x8732xf32> to vector<1x8732xf32>
    %mul3A_53 = arith.constant 1.000000e-01 : f32
    %mul3A_54 = vector.broadcast %mul3A_53 : f32 to vector<1x8732xf32>
    %mul3A_55 = arith.mulf %slice3A_52, %mul3A_54 : vector<1x8732xf32>
    %mul3A_56 = arith.mulf %mul3A_55, %slice3A_46 : vector<1x8732xf32>
    %add3A_57 = arith.addf %mul3A_56, %slice3A_44 : vector<1x8732xf32>
    %slice3A_58 = vector.extract_strided_slice %get3A_3 {offsets = [2, 0], sizes = [1, 8732], strides = [1, 1]} : vector<4x8732xf32> to vector<1x8732xf32>
    %mul3A_59 = arith.constant 2.000000e-01 : f32
    %mul3A_60 = vector.broadcast %mul3A_59 : f32 to vector<1x8732xf32>
    %mul3A_61 = arith.mulf %slice3A_58, %mul3A_60 : vector<1x8732xf32>
    %exp3A = math.exp %mul3A_61 : vector<1x8732xf32>
    %mul3A_62 = arith.mulf %exp3A, %slice3A_45 : vector<1x8732xf32>
    %slice3A_63 = vector.extract_strided_slice %get3A_3 {offsets = [3, 0], sizes = [1, 8732], strides = [1, 1]} : vector<4x8732xf32> to vector<1x8732xf32>
    %mul3A_64 = arith.constant 2.000000e-01 : f32
    %mul3A_65 = vector.broadcast %mul3A_64 : f32 to vector<1x8732xf32>
    %mul3A_66 = arith.mulf %slice3A_63, %mul3A_65 : vector<1x8732xf32>
    %exp3A_67 = math.exp %mul3A_66 : vector<1x8732xf32>
    %mul3A_68 = arith.mulf %exp3A_67, %slice3A_46 : vector<1x8732xf32>
    %div3A = arith.constant 2.000000e+00 : f32
    %div3A_69 = vector.broadcast %div3A : f32 to vector<1x8732xf32>
    %div3A_70 = arith.divf %mul3A_62, %div3A_69 : vector<1x8732xf32>
    %sub3A_71 = arith.subf %add3A, %div3A_70 : vector<1x8732xf32>
    %div3A_72 = arith.constant 2.000000e+00 : f32
    %div3A_73 = vector.broadcast %div3A_72 : f32 to vector<1x8732xf32>
    %div3A_74 = arith.divf %mul3A_68, %div3A_73 : vector<1x8732xf32>
    %sub3A_75 = arith.subf %add3A_57, %div3A_74 : vector<1x8732xf32>
    %div3A_76 = arith.constant 2.000000e+00 : f32
    %div3A_77 = vector.broadcast %div3A_76 : f32 to vector<1x8732xf32>
    %div3A_78 = arith.divf %mul3A_62, %div3A_77 : vector<1x8732xf32>
    %add3A_79 = arith.addf %add3A, %div3A_78 : vector<1x8732xf32>
    %div3A_80 = arith.constant 2.000000e+00 : f32
    %div3A_81 = vector.broadcast %div3A_80 : f32 to vector<1x8732xf32>
    %div3A_82 = arith.divf %mul3A_68, %div3A_81 : vector<1x8732xf32>
    %add3A_83 = arith.addf %add3A_57, %div3A_82 : vector<1x8732xf32>
    %slice3A_84 = vector.extract_strided_slice %get3A_8 {offsets = [0, 0], sizes = [1, 8732], strides = [1, 1]} : vector<4x8732xf32> to vector<1x8732xf32>
    %mul3A_85 = arith.constant 1.000000e-01 : f32
    %mul3A_86 = vector.broadcast %mul3A_85 : f32 to vector<1x8732xf32>
    %mul3A_87 = arith.mulf %slice3A_84, %mul3A_86 : vector<1x8732xf32>
    %mul3A_88 = arith.mulf %mul3A_87, %slice3A_45 : vector<1x8732xf32>
    %add3A_89 = arith.addf %mul3A_88, %slice3A : vector<1x8732xf32>
    %slice3A_90 = vector.extract_strided_slice %get3A_8 {offsets = [1, 0], sizes = [1, 8732], strides = [1, 1]} : vector<4x8732xf32> to vector<1x8732xf32>
    %mul3A_91 = arith.constant 1.000000e-01 : f32
    %mul3A_92 = vector.broadcast %mul3A_91 : f32 to vector<1x8732xf32>
    %mul3A_93 = arith.mulf %slice3A_90, %mul3A_92 : vector<1x8732xf32>
    %mul3A_94 = arith.mulf %mul3A_93, %slice3A_46 : vector<1x8732xf32>
    %add3A_95 = arith.addf %mul3A_94, %slice3A_44 : vector<1x8732xf32>
    %slice3A_96 = vector.extract_strided_slice %get3A_8 {offsets = [2, 0], sizes = [1, 8732], strides = [1, 1]} : vector<4x8732xf32> to vector<1x8732xf32>
    %mul3A_97 = arith.constant 2.000000e-01 : f32
    %mul3A_98 = vector.broadcast %mul3A_97 : f32 to vector<1x8732xf32>
    %mul3A_99 = arith.mulf %slice3A_96, %mul3A_98 : vector<1x8732xf32>
    %exp3A_100 = math.exp %mul3A_99 : vector<1x8732xf32>
    %mul3A_101 = arith.mulf %exp3A_100, %slice3A_45 : vector<1x8732xf32>
    %slice3A_102 = vector.extract_strided_slice %get3A_8 {offsets = [3, 0], sizes = [1, 8732], strides = [1, 1]} : vector<4x8732xf32> to vector<1x8732xf32>
    %mul3A_103 = arith.constant 2.000000e-01 : f32
    %mul3A_104 = vector.broadcast %mul3A_103 : f32 to vector<1x8732xf32>
    %mul3A_105 = arith.mulf %slice3A_102, %mul3A_104 : vector<1x8732xf32>
    %exp3A_106 = math.exp %mul3A_105 : vector<1x8732xf32>
    %mul3A_107 = arith.mulf %exp3A_106, %slice3A_46 : vector<1x8732xf32>
    %div3A_108 = arith.constant 2.000000e+00 : f32
    %div3A_109 = vector.broadcast %div3A_108 : f32 to vector<1x8732xf32>
    %div3A_110 = arith.divf %mul3A_101, %div3A_109 : vector<1x8732xf32>
    %sub3A_111 = arith.subf %add3A_89, %div3A_110 : vector<1x8732xf32>
    %div3A_112 = arith.constant 2.000000e+00 : f32
    %div3A_113 = vector.broadcast %div3A_112 : f32 to vector<1x8732xf32>
    %div3A_114 = arith.divf %mul3A_107, %div3A_113 : vector<1x8732xf32>
    %sub3A_115 = arith.subf %add3A_95, %div3A_114 : vector<1x8732xf32>
    %div3A_116 = arith.constant 2.000000e+00 : f32
    %div3A_117 = vector.broadcast %div3A_116 : f32 to vector<1x8732xf32>
    %div3A_118 = arith.divf %mul3A_101, %div3A_117 : vector<1x8732xf32>
    %add3A_119 = arith.addf %add3A_89, %div3A_118 : vector<1x8732xf32>
    %div3A_120 = arith.constant 2.000000e+00 : f32
    %div3A_121 = vector.broadcast %div3A_120 : f32 to vector<1x8732xf32>
    %div3A_122 = arith.divf %mul3A_107, %div3A_121 : vector<1x8732xf32>
    %add3A_123 = arith.addf %add3A_95, %div3A_122 : vector<1x8732xf32>
    %min3A = arith.minimumf %add3A_79, %add3A_119 : vector<1x8732xf32>
    %max3A = arith.maximumf %sub3A_71, %sub3A_111 : vector<1x8732xf32>
    %sub3A_124 = arith.subf %min3A, %max3A : vector<1x8732xf32>
    %max3A_125 = arith.constant 0.000000e+00 : f32
    %max3A_126 = vector.broadcast %max3A_125 : f32 to vector<1x8732xf32>
    %max3A_127 = arith.maximumf %sub3A_124, %max3A_126 : vector<1x8732xf32>
    %min3A_128 = arith.minimumf %add3A_83, %add3A_123 : vector<1x8732xf32>
    %max3A_129 = arith.maximumf %sub3A_75, %sub3A_115 : vector<1x8732xf32>
    %sub3A_130 = arith.subf %min3A_128, %max3A_129 : vector<1x8732xf32>
    %max3A_131 = arith.constant 0.000000e+00 : f32
    %max3A_132 = vector.broadcast %max3A_131 : f32 to vector<1x8732xf32>
    %max3A_133 = arith.maximumf %sub3A_130, %max3A_132 : vector<1x8732xf32>
    %mul3A_134 = arith.mulf %max3A_127, %max3A_133 : vector<1x8732xf32>
    %sub3A_135 = arith.subf %add3A_79, %sub3A_71 : vector<1x8732xf32>
    %sub3A_136 = arith.subf %add3A_83, %sub3A_75 : vector<1x8732xf32>
    %mul3A_137 = arith.mulf %sub3A_135, %sub3A_136 : vector<1x8732xf32>
    %sub3A_138 = arith.subf %add3A_119, %sub3A_111 : vector<1x8732xf32>
    %sub3A_139 = arith.subf %add3A_123, %sub3A_115 : vector<1x8732xf32>
    %mul3A_140 = arith.mulf %sub3A_138, %sub3A_139 : vector<1x8732xf32>
    %add3A_141 = arith.addf %mul3A_137, %mul3A_140 : vector<1x8732xf32>
    %sub3A_142 = arith.subf %add3A_141, %mul3A_134 : vector<1x8732xf32>
    %add3A_143 = arith.constant 9.99999971E-10 : f32
    %add3A_144 = vector.broadcast %add3A_143 : f32 to vector<1x8732xf32>
    %add3A_145 = arith.addf %sub3A_142, %add3A_144 : vector<1x8732xf32>
    %div3A_146 = arith.divf %mul3A_134, %add3A_145 : vector<1x8732xf32>
    %mul3A_147 = arith.mulf %div3A_146, %convert_element_type3A_24 : vector<1x8732xf32>
    %reduce_sum3A_148 = vector.shape_cast %mul3A_147 : vector<1x8732xf32> to vector<1x1x8732xf32>
    %reduce_sum3A_149 = arith.constant dense<0.000000e+00> : vector<1xf32>
    %reduce_sum3A_150 = vector.multi_reduction <add>, %reduce_sum3A_148, %reduce_sum3A_149 [1, 2] : vector<1x1x8732xf32> to vector<1xf32>
    %reduce_sum3A_151 = vector.shape_cast %reduce_sum3A_150 : vector<1xf32> to vector<1x1x1xf32>
    %reduce_sum3A_152 = vector.extract %reduce_sum3A_151[0, 0, 0] : f32 from vector<1x1x1xf32>
    %iota3A = tpu.iota {dimensions = array<i32: 1>} : vector<8732x80xi32>
    %add3A_153 = arith.constant 1 : i32
    %add3A_154 = vector.broadcast %add3A_153 : i32 to vector<8732x80xi32>
    %add3A_155 = arith.addi %iota3A, %add3A_154 : vector<8732x80xi32>
    %reshape3A = vector.shape_cast %get3A_18 : vector<1x8732xi32> to vector<8732x1xi32>
    %eq3A = vector.broadcast %reshape3A : vector<8732x1xi32> to vector<8732x80xi32>
    %eq3A_156 = arith.cmpi eq, %add3A_155, %eq3A : vector<8732x80xi32>
    %convert_element_type3A_157 = arith.extui %eq3A_156 : vector<8732x80xi1> to vector<8732x80xi32>
    %convert_element_type3A_158 = arith.sitofp %convert_element_type3A_157 : vector<8732x80xi32> to vector<8732x80xf32>
    %max3A_159 = arith.constant 0.000000e+00 : f32
    %max3A_160 = vector.broadcast %max3A_159 : f32 to vector<8732x80xf32>
    %max3A_161 = arith.maximumf %get3A_13, %max3A_160 : vector<8732x80xf32>
    %mul3A_162 = arith.mulf %get3A_13, %convert_element_type3A_158 : vector<8732x80xf32>
    %sub3A_163 = arith.subf %max3A_161, %mul3A_162 : vector<8732x80xf32>
    %abs3A_164 = math.absf %get3A_13 : vector<8732x80xf32>
    %neg3A = arith.constant 0.000000e+00 : f32
    %neg3A_165 = vector.broadcast %neg3A : f32 to vector<8732x80xf32>
    %neg3A_166 = arith.subf %neg3A_165, %abs3A_164 : vector<8732x80xf32>
    %exp3A_167 = math.exp %neg3A_166 : vector<8732x80xf32>
    %log1p3A = math.log1p %exp3A_167 : vector<8732x80xf32>
    %add3A_168 = arith.addf %sub3A_163, %log1p3A : vector<8732x80xf32>
    %reduce_sum3A_169 = vector.shape_cast %convert_element_type3A_158 : vector<8732x80xf32> to vector<1x8732x80xf32>
    %reduce_sum3A_170 = arith.constant dense<0.000000e+00> : vector<1xf32>
    %reduce_sum3A_171 = vector.multi_reduction <add>, %reduce_sum3A_169, %reduce_sum3A_170 [1, 2] : vector<1x8732x80xf32> to vector<1xf32>
    %reduce_sum3A_172 = vector.shape_cast %reduce_sum3A_171 : vector<1xf32> to vector<1x1x1xf32>
    %reduce_sum3A_173 = vector.extract %reduce_sum3A_172[0, 0, 0] : f32 from vector<1x1x1xf32>
    %mul3A_174 = arith.mulf %add3A_168, %convert_element_type3A_158 : vector<8732x80xf32>
    %reduce_sum3A_175 = vector.shape_cast %mul3A_174 : vector<8732x80xf32> to vector<1x8732x80xf32>
    %reduce_sum3A_176 = arith.constant dense<0.000000e+00> : vector<1xf32>
    %reduce_sum3A_177 = vector.multi_reduction <add>, %reduce_sum3A_175, %reduce_sum3A_176 [1, 2] : vector<1x8732x80xf32> to vector<1xf32>
    %reduce_sum3A_178 = vector.shape_cast %reduce_sum3A_177 : vector<1xf32> to vector<1x1x1xf32>
    %reduce_sum3A_179 = vector.extract %reduce_sum3A_178[0, 0, 0] : f32 from vector<1x1x1xf32>
    %jit3A = arith.constant 0.000000e+00 : f32
    %broadcast_in_dim3A = vector.broadcast %jit3A : f32 to vector<8732x80xf32>
    %select_n3A_180 = arith.select %eq3A_156, %broadcast_in_dim3A, %add3A_168 : vector<8732x80xi1>, vector<8732x80xf32>
    %swap3A = arith.constant 0 : index
    %swap3A_181 = arith.constant 0 : index
    %swap3A_182 = arith.constant 0 : index
    %swap3A_183 = vector.load %arg6[%swap3A, %swap3A_181, %swap3A_182] : memref<1x8732x80xf32, #tpu.memory_space<vmem>>, vector<1x8732x80xf32>
    %swap3A_184 = vector.shape_cast %swap3A_183 : vector<1x8732x80xf32> to vector<8732x80xf32>
    %swap3A_185 = vector.shape_cast %select_n3A_180 : vector<8732x80xf32> to vector<1x8732x80xf32>
    tpu.vector_store %arg6[%swap3A, %swap3A_181, %swap3A_182], %swap3A_185 {strides = array<i32>} : memref<1x8732x80xf32, #tpu.memory_space<vmem>>, vector<1x8732x80xf32>,
    %iota3A_186 = tpu.iota {dimensions = array<i32: 1>} : vector<1x8xi32>
    %eq3A_187 = arith.constant 0 : i32
    %eq3A_188 = vector.broadcast %eq3A_187 : i32 to vector<1x8xi32>
    %eq3A_189 = arith.cmpi eq, %iota3A_186, %eq3A_188 : vector<1x8xi32>
    %jit3A_190 = arith.constant 0.000000e+00 : f32
    %broadcast_in_dim3A_191 = vector.broadcast %reduce_sum3A_28 : f32 to vector<1x8xf32>
    %broadcast_in_dim3A_192 = vector.broadcast %jit3A_190 : f32 to vector<1x8xf32>
    %select_n3A_193 = arith.select %eq3A_189, %broadcast_in_dim3A_191, %broadcast_in_dim3A_192 : vector<1x8xi1>, vector<1x8xf32>
    %eq3A_194 = arith.constant 1 : i32
    %eq3A_195 = vector.broadcast %eq3A_194 : i32 to vector<1x8xi32>
    %eq3A_196 = arith.cmpi eq, %iota3A_186, %eq3A_195 : vector<1x8xi32>
    %jit3A_197 = arith.constant 0.000000e+00 : f32
    %broadcast_in_dim3A_198 = vector.broadcast %reduce_sum3A_173 : f32 to vector<1x8xf32>
    %broadcast_in_dim3A_199 = vector.broadcast %jit3A_197 : f32 to vector<1x8xf32>
    %select_n3A_200 = arith.select %eq3A_196, %broadcast_in_dim3A_198, %broadcast_in_dim3A_199 : vector<1x8xi1>, vector<1x8xf32>
    %add3A_201 = arith.addf %select_n3A_193, %select_n3A_200 : vector<1x8xf32>
    %eq3A_202 = arith.constant 2 : i32
    %eq3A_203 = vector.broadcast %eq3A_202 : i32 to vector<1x8xi32>
    %eq3A_204 = arith.cmpi eq, %iota3A_186, %eq3A_203 : vector<1x8xi32>
    %jit3A_205 = arith.constant 0.000000e+00 : f32
    %broadcast_in_dim3A_206 = vector.broadcast %reduce_sum3A_179 : f32 to vector<1x8xf32>
    %broadcast_in_dim3A_207 = vector.broadcast %jit3A_205 : f32 to vector<1x8xf32>
    %select_n3A_208 = arith.select %eq3A_204, %broadcast_in_dim3A_206, %broadcast_in_dim3A_207 : vector<1x8xi1>, vector<1x8xf32>
    %add3A_209 = arith.addf %add3A_201, %select_n3A_208 : vector<1x8xf32>
    %eq3A_210 = arith.constant 3 : i32
    %eq3A_211 = vector.broadcast %eq3A_210 : i32 to vector<1x8xi32>
    %eq3A_212 = arith.cmpi eq, %iota3A_186, %eq3A_211 : vector<1x8xi32>
    %jit3A_213 = arith.constant 0.000000e+00 : f32
    %broadcast_in_dim3A_214 = vector.broadcast %reduce_sum3A_43 : f32 to vector<1x8xf32>
    %broadcast_in_dim3A_215 = vector.broadcast %jit3A_213 : f32 to vector<1x8xf32>
    %select_n3A_216 = arith.select %eq3A_212, %broadcast_in_dim3A_214, %broadcast_in_dim3A_215 : vector<1x8xi1>, vector<1x8xf32>
    %add3A_217 = arith.addf %add3A_209, %select_n3A_216 : vector<1x8xf32>
    %eq3A_218 = arith.constant 4 : i32
    %eq3A_219 = vector.broadcast %eq3A_218 : i32 to vector<1x8xi32>
    %eq3A_220 = arith.cmpi eq, %iota3A_186, %eq3A_219 : vector<1x8xi32>
    %jit3A_221 = arith.constant 0.000000e+00 : f32
    %broadcast_in_dim3A_222 = vector.broadcast %reduce_sum3A_152 : f32 to vector<1x8xf32>
    %broadcast_in_dim3A_223 = vector.broadcast %jit3A_221 : f32 to vector<1x8xf32>
    %select_n3A_224 = arith.select %eq3A_220, %broadcast_in_dim3A_222, %broadcast_in_dim3A_223 : vector<1x8xi1>, vector<1x8xf32>
    %add3A_225 = arith.addf %add3A_217, %select_n3A_224 : vector<1x8xf32>
    %swap3A_226 = arith.constant 0 : index
    %swap3A_227 = arith.constant 0 : index
    %swap3A_228 = arith.constant 0 : index
    %swap3A_229 = vector.load %arg7[%swap3A_226, %swap3A_227, %swap3A_228] : memref<1x1x8xf32, #tpu.memory_space<vmem>>, vector<1x1x8xf32>
    %swap3A_230 = vector.shape_cast %swap3A_229 : vector<1x1x8xf32> to vector<1x8xf32>
    %swap3A_231 = vector.shape_cast %add3A_225 : vector<1x8xf32> to vector<1x1x8xf32>
    tpu.vector_store %arg7[%swap3A_226, %swap3A_227, %swap3A_228], %swap3A_231 {strides = array<i32>} : memref<1x1x8xf32, #tpu.memory_space<vmem>>, vector<1x1x8xf32>,
    return
  }
  func.func @transform_0(%arg0: i32) -> (i32, i32, i32) {
    %c0_i32 = arith.constant 0 : i32
    %c0_i32_0 = arith.constant 0 : i32
    %c0_i32_1 = arith.constant 0 : i32
    return %arg0, %c0_i32, %c0_i32_0 : i32, i32, i32
  }
  func.func @transform_1(%arg0: i32) -> (i32, i32, i32) {
    %c0_i32 = arith.constant 0 : i32
    %c0_i32_0 = arith.constant 0 : i32
    %c0_i32_1 = arith.constant 0 : i32
    return %arg0, %c0_i32, %c0_i32_0 : i32, i32, i32
  }
  func.func @transform_2(%arg0: i32) -> (i32, i32, i32) {
    %c0_i32 = arith.constant 0 : i32
    %c0_i32_0 = arith.constant 0 : i32
    %c0_i32_1 = arith.constant 0 : i32
    return %arg0, %c0_i32, %c0_i32_0 : i32, i32, i32
  }
  func.func @transform_3(%arg0: i32) -> (i32, i32, i32) {
    %c0_i32 = arith.constant 0 : i32
    %c0_i32_0 = arith.constant 0 : i32
    %c0_i32_1 = arith.constant 0 : i32
    return %arg0, %c0_i32, %c0_i32_0 : i32, i32, i32
  }
  func.func @transform_4(%arg0: i32) -> (i32, i32) {
    %c0_i32 = arith.constant 0 : i32
    %c0_i32_0 = arith.constant 0 : i32
    %c0_i32_1 = arith.constant 0 : i32
    return %c0_i32, %c0_i32_0 : i32, i32
  }
  func.func @transform_5(%arg0: i32) -> (i32, i32, i32) {
    %c0_i32 = arith.constant 0 : i32
    %c0_i32_0 = arith.constant 0 : i32
    %c0_i32_1 = arith.constant 0 : i32
    return %arg0, %c0_i32, %c0_i32_0 : i32, i32, i32
  }
  func.func @transform_6(%arg0: i32) -> (i32, i32, i32) {
    %c0_i32 = arith.constant 0 : i32
    %c0_i32_0 = arith.constant 0 : i32
    %c0_i32_1 = arith.constant 0 : i32
    return %arg0, %c0_i32, %c0_i32_0 : i32, i32, i32
  }
}

</mosaic_0001>

<sc_bundles>
// kernel: kernel.5.cloned.1.call-start
scs
__scs_entry_jumppad:
0x0: {  	(pc) =	sbr.rel $0x88, $3  }
0x1: {  	(tag) =	ssettag $0x0;
	lr =	simm.s32 $0x1  }
0x2: {  	[smem:$0x3F9C] =	sst lr;
	_ =	strace $0xD0000000  }
0x3: {  	_ = 	snop  }
0x4: {  	_ = 	snop  }
0x5: {  	_ = 	snop  }
0x6: {  	_ = 	snop  }
0x7: {  	_ = 	snop  }
__scs_overlays_trampoline_lowered:
0x8: {  	[smem:$0x3FAB] =	sst s0  }
0x9: {  	[smem:$0x3FAC] =	sst s1  }
0xa: {  	[smem:$0x3FAD] =	sst s2  }
0xb: {  	[smem:$0x3FAE] =	sst s3  }
0xc: {  	[smem:$0x3FAF] =	sst s4  }
0xd: {  	[smem:$0x3FB0] =	sst s5  }
0xe: {  	[smem:$0x3FB1] =	sst s6  }
0xf: {  	[smem:$0x3FB2] =	sst s7  }
0x10: {  	[smem:$0x3FB3] =	sst s8  }
0x11: {  	[smem:$0x3FB4] =	sst s9;
	s0 =	simm.s32 @!p0 $0x0  }
0x12: {  	s1 =	sld [smem:$0x3F9A];
	s0 =	simm.s32 @p0 $0x1  }
0x13: {  	[smem:$0x3FB5] =	sst s0;
	s0 =	simm.s32 @!p1 $0x0  }
0x14: {  	s2 =	sld [smem:$0x3F99];
	s0 =	simm.s32 @p1 $0x1  }
0x15: {  	[smem:$0x3FB6] =	sst s0;
	s0 =	simm.s32 @!p2 $0x0  }
0x16: {  	s3 =	sld [smem:$0x3FDB];
	s0 =	simm.s32 @p2 $0x1  }
0x17: {  	s4 =	simm.s32 $0x1BF5;
	[smem:$0x3FB8] =	sst s0  }
0x18: {  	s0 =	sld [smem:$0x3F9B];
	_ =	swait.ge [sflag:s4], $0x0  }
0x19: {  	s7 =	sld [smem:$0x3F9C]  }
0x1a: {  	s8 =	sadd.s32 $0xFFFFE003, lr  }
0x1b: {  	s9 =	sadd.s32 $0xFFFFFEF7, lr;
	s5 =	simm.s32 $0xFFFFFFFF;
	p2 =	slt.u32 s8, $0xFFFFF086  }
0x1c: {  	p1 =	slt.u32 s9, $0xF7A;
	s5 =	simm.s32 @!p2 $0x0  }
0x1d: {  	s5 =	simm.s32 @p1 $0x1;
	p0 =	seq.s32 s7, s2  }
0x1e: {  	s7 =	smul.u32 @!p0 $0xF7A, s2;
	p2 =	seq.s32 @!p0 s5, $0x0  }
0x1f: {  	s9 =	smul.u32 $0xF7A, s1;
	s8 =	simm.s32 @!p0 $0x1BF5;
	p2 =	por !p2, p0  }
0x20: {  	[sflag:s8] =	ssyncset.s32 @!p0 $0xFFFFF086;
	s6 =	sadd.s32 @!p0 s3, s7;
	s7 =	simm.s32 @!p0 $0x108  }
0x21: {  	s3 =	sadd.s32 s3, s9;
	s6 =	sadd.s32 @!p0 $0x88, s6;
	s7 =	simm.s32 @p2 $0x1082  }
0x22: {  	[simem:s7], [sflag:s8] =	dma.local @!p0 [hbm:s6], $0xF7A  }
0x23: {  	s9 =	sor.u32 $0xD0000000, s2;
	s6 =	simm.s32 $0x108;
	_ =	swait.ge @!p0 [sflag:s8], $0x0  }
0x24: {  	s3 =	sadd.s32 $0x88, s3;
	s6 =	simm.s32 @!p1 $0x1082;
	[sflag:s4] =	ssyncset.s32 $0xFFFFF086  }
0x25: {  	[simem:s6], [sflag:s4] =	dma.local [hbm:s3], $0xF7A  }
0x26: {  	[smem:$0x3F9C] =	sst s1;
	(tag) =	ssettag s2;
	_ =	strace s9  }
0x27: {  	s1 =	sld [smem:$0x3FAC]  }
0x28: {  	s2 =	sld [smem:$0x3FAD]  }
0x29: {  	s4 =	sld [smem:$0x3FAF]  }
0x2a: {  	p0 =	seq.s32 s5, $0x0;
	s5 =	sld [smem:$0x3FB0]  }
0x2b: {  	s6 =	sld [smem:$0x3FB1]  }
0x2c: {  	s7 =	sld [smem:$0x3FB2]  }
0x2d: {  	s3 =	simm.s32 $0x108;
	s8 =	sld [smem:$0x3FB3]  }
0x2e: {  	s3 =	simm.s32 @!p0 $0x1082;
	s9 =	sld [smem:$0x3FB4]  }
0x2f: {  	lr =	sadd.s32 s0, s3;
	s0 =	sld [smem:$0x3FAB]  }
0x30: {  	s3 =	sld [smem:$0x3FAE]  }
0x31: {  	[smem:$0x3FB7] =	sst s10  }
0x32: {  	s10 =	sld [smem:$0x3FB5];
	_ =	sdelay $0x3  }
0x33: {  	p0 =	seq.s32 s10, $0x1;
	s10 =	sld [smem:$0x3FB7];
	_ =	sdelay $0x3  }
0x34: {  	[smem:$0x3FB7] =	sst s10  }
0x35: {  	s10 =	sld [smem:$0x3FB6];
	_ =	sdelay $0x3  }
0x36: {  	p1 =	seq.s32 s10, $0x1;
	s10 =	sld [smem:$0x3FB7];
	_ =	sdelay $0x3  }
0x37: {  	[smem:$0x3FB7] =	sst s10  }
0x38: {  	s10 =	sld [smem:$0x3FB8]  }
0x39: {  	_ = 	snop;
	(pc) =	sbr.ind lr, $3  }
0x3a: {  	_ = 	snop  }
0x3b: {  	_ = 	snop  }
0x3c: {  	p2 =	seq.s32 s10, $0x1;
	s10 =	sld [smem:$0x3FB7]  }
0x3d: {  	_ =	shalt  }
0x3e: {  	_ =	shalt  }
0x3f: {  	_ =	shalt  }
0x40: {  	_ =	shalt  }
0x41: {  	_ =	shalt  }
0x42: {  	_ =	shalt  }
0x43: {  	_ =	shalt  }
0x44: {  	_ =	shalt  }
0x45: {  	_ =	shalt  }
0x46: {  	_ =	shalt  }
0x47: {  	_ =	shalt  }
0x48: {  	_ =	shalt  }
0x49: {  	_ =	shalt  }
0x4a: {  	_ =	shalt  }
0x4b: {  	_ =	shalt  }
0x4c: {  	_ =	shalt  }
0x4d: {  	_ =	shalt  }
0x4e: {  	_ =	shalt  }
0x4f: {  	_ =	shalt  }
0x50: {  	_ =	shalt  }
0x51: {  	_ =	shalt  }
0x52: {  	_ =	shalt  }
0x53: {  	_ =	shalt  }
0x54: {  	_ =	shalt  }
0x55: {  	_ =	shalt  }
0x56: {  	_ =	shalt  }
0x57: {  	_ =	shalt  }
0x58: {  	_ =	shalt  }
0x59: {  	_ =	shalt  }
0x5a: {  	_ =	shalt  }
0x5b: {  	_ =	shalt  }
0x5c: {  	_ =	shalt  }
0x5d: {  	_ =	shalt  }
0x5e: {  	_ =	shalt  }
0x5f: {  	_ =	shalt  }
0x60: {  	_ =	shalt  }
0x61: {  	_ =	shalt  }
0x62: {  	_ =	shalt  }
0x63: {  	_ =	shalt  }
0x64: {  	_ =	shalt  }
0x65: {  	_ =	shalt  }
0x66: {  	_ =	shalt  }
0x67: {  	_ =	shalt  }
0x68: {  	_ =	shalt  }
0x69: {  	_ =	shalt  }
0x6a: {  	_ =	shalt  }
0x6b: {  	_ =	shalt  }
0x6c: {  	_ =	shalt  }
0x6d: {  	_ =	shalt  }
0x6e: {  	_ =	shalt  }
0x6f: {  	_ =	shalt  }
0x70: {  	_ =	shalt  }
0x71: {  	_ =	shalt  }
0x72: {  	_ =	shalt  }
0x73: {  	_ =	shalt  }
0x74: {  	_ =	shalt  }
0x75: {  	_ =	shalt  }
0x76: {  	_ =	shalt  }
0x77: {  	_ =	shalt  }
0x78: {  	_ =	shalt  }
0x79: {  	_ =	shalt  }
0x7a: {  	_ =	shalt  }
0x7b: {  	_ =	shalt  }
0x7c: {  	_ =	shalt  }
0x7d: {  	_ =	shalt  }
0x7e: {  	_ =	shalt  }
0x7f: {  	_ =	shalt  }
0x80: {  	_ =	shalt  }
0x81: {  	_ =	shalt  }
0x82: {  	_ =	shalt  }
0x83: {  	_ =	shalt  }
0x84: {  	_ =	shalt  }
0x85: {  	_ =	shalt  }
0x86: {  	_ =	shalt  }
0x87: {  	_ =	shalt  }
.Lfunc_end0:
.L_simem_size_0:
called_computation_lowered:
.L_overlay_start_0:
0x88: {  	s2 =	sld [smem:$0x3FD9]  }
0x89: {  	s3 =	sld [smem:$0x3FFE];
	_ =	sdelay $0x1  }
0x8a: {  	s1 =	srdreg.scid  }
0x8b: {  	s0 =	sand.u32 $0x1, s1  }
0x8c: {  	s16 =	sshll.u32 s0, $0xA;
	s2 =	sadd.s32 s3, s2  }
0x8d: {  	s2 =	sadd.s32 s2, s16  }
0x8e: {  	[smem:$0x3FC3] =	sst s2  }
0x8f: {  	_ = 	snop  }
0x90: {  	(tm) =	ssettm $0x1  }
0x91: {  	s17 =	sld [smem:$0x3FFB];
	_ =	sdelay $0x3  }
0x92: {  	_ =	strace s17  }
0x93: {  	s2 =	sld [smem:$0x3FFC];
	_ =	sdelay $0x3  }
0x94: {  	_ =	strace s2  }
0x95: {  	s2 =	sld [smem:$0x3FFD];
	_ =	sdelay $0x3  }
0x96: {  	_ =	strace s2  }
0x97: {  	_ =	strace $0x8FFFFFFF  }
0x98: {  	s18 =	sld [smem:$0x3FDB];
	_ =	sdelay $0x1  }
0x99: {  	s19 =	simm.s32 $_scs_section_size  }
0x9a: {  	s4 =	simm.s32 $_size__tile_overlayer_lowered;
	s5 =	simm.s32 $_tile_overlayer_lowered  }
0x9b: {  	s22 =	simm.s32 $0x1BFF;
	s21 =	sshll.u32 s5, $0x1;
	s2 =	sadd.s32 s19, s18  }
0x9c: {  	s6 =	simm.s32 $0x0;
	s20 =	sshll.u32 s4, $0x1;
	s4 =	sadd.s32 s21, s2  }
0x9d: {  	[timem:s6], [sflag:s22] =	dma.local [hbm:s4], s20  }
0x9e: {  	_ =	swait.ge [sflag:s22], s20  }
0x9f: {  	s3 =	ssub.s32 $0x0, s20;
	[sflag:s22] =	ssyncset.done $0x0  }
0xa0: {  	[sflag:s22] =	ssyncadd.s32 s3;
	_ =	sdelay $0x1  }
0xa1: {  	s23 =	simm.s32 $0x1B8B  }
0xa2: {  	_ =	swait.ge [sflag:s23], $0x1  }
0xa3: {  	[sflag:s23] =	ssyncset.done $0x0  }
0xa4: {  	s25 =	simm.s32 $0x1B8E;
	s24 =	sld [smem:$0x3FFE];
	[sflag:s23] =	ssyncadd.s32 $0xFFFFFFFF  }
0xa5: {  	s26 =	simm.s32 $execute0_lowered;
	[smem:$0x3FD2] =	sst s25  }
0xa6: {  	s4 =	sshll.u32 s26, $0x1;
	_ =	strace $0x80000046;
	[dreg:$0x1] =	wrdreg $0xFFFFFFFF  }
0xa7: {  	s28 =	simm.s32 $_size_execute0_lowered;
	s2 =	sadd.s32 s2, s4;
	[dreg:$0x0] =	wrdreg $0x0  }
0xa8: {  	s4 =	sshll.u32 s28, $0x1;
	[dreg:$0x2] =	wrdreg s2  }
0xa9: {  	[dreg:$0x3] =	wrdreg s4  }
0xaa: {  	[dreg:$0x4] =	wrdreg $0xC0  }
0xab: {  	_ =	task [dreg:s6], $0x5FFFF  }
0xac: {  	[dreg:$0x1] =	wrdreg $0xFFFFFFFF  }
0xad: {  	[dreg:$0x0] =	wrdreg $0x60  }
0xae: {  	[dreg:$0x2] =	wrdreg s24  }
0xaf: {  	[dreg:$0x3] =	wrdreg $0x9  }
0xb0: {  	_ =	task.clear_ibuf [dreg:s6], $0x4FFFF;
	_ =	strace $0x90000046  }
0xb1: {  	s29 =	simm.s32 $0x9;
	_ =	strace $0x80000048  }
0xb2: {  	_ =	swait.ge [sflag:s29], $0x1  }
0xb3: {  	[sflag:s29] =	ssyncadd.s32 $0xFFFFFFFF  }
0xb4: {  	_ =	strace $0x90000048  }
0xb5: {  	_ =	sfence  }
0xb6: {  	s30 =	sld [smem:$0x0];
	_ =	sdelay $0x2  }
0xb7: {  	s31 =	sshll.u32 s1, $0xD;
	s1 =	sshrl.u32 s1, $0x2  }
0xb8: {  	s3 =	sand.u32 $0x4000, s31;
	s1 =	sadd.s32 s1, s30  }
0xb9: {  	s0 =	sor.u32 s3, s0;
	s1 =	sshll.u32 s1, $0x11  }
0xba: {  	s0 =	sor.u32 s1, s0  }
0xbb: {  	s0 =	sadd.s32 $0x8F2B, s0  }
0xbc: {  	[sflag:s0] =	ssyncadd.remote.s32 $0x1  }
0xbd: {  	_ =	sfence.sel $0xFFFF  }
0xbe: {  	[dreg:$0x0] =	wrdreg $0xFFFFFFFF;
	(pc) =	sbr.abs _section_cstart, $3  }
0xbf: {  	[dreg:$0x1] =	wrdreg $0xFFFFFFFF  }
0xc0: {  	_ =	task.clear_ibuf [dreg:s6], $0x2FFFF;
	_ =	strace $0x9FFFFFFF  }
0xc1: {  	(tm) =	ssettm $0x7FFFFFFF  }
tec
execute0_lowered:
.L_overlay_start_1:
0x0: {  	(tag) =	ssettag $0x1  }
0x1: {  	s4 =	rddreg [dreg:$0x0]  }
0x2: {  	s0 =	rddreg [dreg:$0x1];
	s2 =	simm.s32 $0x0  }
0x3: {  	s1 =	stileid.u32;
	s3 =	srdreg.scid;
	s10 =	simm.s32 $0x8900  }
0x4: {  	s11 =	simm.s32 $0x80;
	s12 =	simm.s32 $0x100;
	s13 =	simm.s32 $0x10900  }
0x5: {  	s14 =	simm.s32 $0x0;
	[smem:$0x7FF] =	sst s2;
	s5 =	sshll.u32 s1, $0x4  }
0x6: {  	s3 =	sand.u32 $0x1, s3;
	s6 =	smul.u32 $0xAA8C0, s1;
	s8 =	sshll.u32 s1, $0xE  }
0x7: {  	_ =	strace $0x80000047;
	s7 =	smul.u32 $0x55460, s3;
	s9 =	sshll.u32 s3, $0xD  }
0x8: {  	s5 =	sadd.s32 s5, s4;
	s3 =	ssub.s32 $0x2, s3;
	s8 =	sor.u32 s9, s8  }
0x9: {  	s29 =	sshrl.u32 s3, $0x1;
	s9 =	simm.s32 $0x1;
	s6 =	sadd.s32 s7, s6  }
0xa: {  	s30 =	sadd.s32 s8, s4;
	s31 =	ssub.s32 s3, s29;
	s3 =	sadd.s32 $0x155200, s5  }
0xb: {  	s8 =	simm.s32 $0x8880;
	s6 =	sshrl.u32 s6, $0x3;
	s5 =	sadd.s32 $0x155400, s30  }
0xc: {  	v0 =	vimm.f32 $0.0e+00;
	v1 =	vlaneseq.u32;
	v2 =	vimm.f32 $1.000000000e+00;
	s7 =	smax.u32 s31, $0x1;
	s4 =	sadd.s32 s4, s6;
	s6 =	sadd.s32 $0x155410, s30  }
.LBB2_1:
0xd: {  	s15 =	simm.s32 $0x40;
	s16 =	simm.s32 $0x0  }
.LBB2_2:
0xe: {  	p0 =	sne.s32 s15, $0x1FFC0;
	[tilespmem:s16+$0x8900] =	vst v0;
	s17 =	smov.u32 s15;
	s15 =	sadd.s32 $0x40, s15  }
.Ltmp0:
0xf: {  	[tilespmem:s16+$0x10900] =	vst v0;
	(pc) =	sbr.rel @p0 .LBB2_2-.Ltmp0, $2  }
0x10: {  	_ =	sdelay $0x2  }
0x11: {  	s16 =	sshra.s32 s17, $0x2  }
0x12: {  	[tilespmem:s16+$0x8900] =	vst v0  }
0x13: {  	[tilespmem:s16+$0x10900] =	vst v0  }
0x14: {  	[tilespmem:s8], [sflag:$0x1] =	stream.linear.gather [hbm4b:s3+s2], $0x80, $0x38;
	[tilespmem:$0x18900] =	vst v63  }
0x15: {  	_ =	swait.ge [sflag:s9], $0x80  }
0x16: {  	[sflag:s9] =	ssyncset.done $0x0  }
0x17: {  	[sflag:s9] =	ssyncadd.s32 $0xFFFFFF80  }
0x18: {  	[tilespmem:s2], [sflag:$0x1] =	stream.linear.gather [hbm4b:s4+s2], $0x8870, $0x38;
	[tilespmem:$0x18900] =	vst v63  }
0x19: {  	_ =	swait.ge [sflag:s9], $0x8870  }
0x1a: {  	[sflag:s9] =	ssyncset.done $0x0  }
0x1b: {  	[sflag:s9] =	ssyncadd.s32 $0xFFFF7790  }
0x1c: {  	v3 =	vld [tilespmem:$0x0];
	_ =	sdelay $0x4  }
0x1d: {  	v3 =	vshrl.u32 v3, $0x10  }
0x1e: {  	v3 =	vand.u32 $0x7FF0, v3  }
0x1f: {  	v3 =	vor.u32 v1, v3;
	_ =	sdelay $0x4  }
0x20: {  	[tilespmem:v3+s10+$0x0] =	vst.idx.add.f32.msk $0xffff, v2  }
0x21: {  	v3 =	vld [tilespmem:$0x10];
	_ =	sdelay $0x4  }
0x22: {  	v3 =	vshrl.u32 v3, $0x10  }
0x23: {  	v3 =	vand.u32 $0x7FF0, v3  }
0x24: {  	v3 =	vor.u32 v1, v3;
	_ =	sdelay $0x4  }
0x25: {  	[tilespmem:v3+s10+$0x0] =	vst.idx.add.f32.msk $0xffff, v2  }
0x26: {  	v3 =	vld [tilespmem:$0x20];
	_ =	sdelay $0x4  }
0x27: {  	v3 =	vshrl.u32 v3, $0x10  }
0x28: {  	v3 =	vand.u32 $0x7FF0, v3  }
0x29: {  	v3 =	vor.u32 v1, v3;
	_ =	sdelay $0x4  }
0x2a: {  	[tilespmem:v3+s10+$0x0] =	vst.idx.add.f32.msk $0xffff, v2  }
0x2b: {  	v3 =	vld [tilespmem:$0x30];
	_ =	sdelay $0x4  }
0x2c: {  	v3 =	vshrl.u32 v3, $0x10  }
0x2d: {  	v3 =	vand.u32 $0x7FF0, v3  }
0x2e: {  	v3 =	vor.u32 v1, v3;
	_ =	sdelay $0x4  }
0x2f: {  	[tilespmem:v3+s10+$0x0] =	vst.idx.add.f32.msk $0xffff, v2  }
0x30: {  	v3 =	vld [tilespmem:$0x8840];
	_ =	sdelay $0x4  }
0x31: {  	v3 =	vshrl.u32 v3, $0x10  }
0x32: {  	v3 =	vand.u32 $0x7FF0, v3  }
0x33: {  	v3 =	vor.u32 v1, v3;
	_ =	sdelay $0x4  }
0x34: {  	[tilespmem:v3+s10+$0x0] =	vst.idx.add.f32.msk $0xffff, v2  }
0x35: {  	v3 =	vld [tilespmem:$0x8850];
	_ =	sdelay $0x4  }
0x36: {  	v3 =	vshrl.u32 v3, $0x10  }
0x37: {  	v3 =	vand.u32 $0x7FF0, v3  }
0x38: {  	v3 =	vor.u32 v1, v3;
	_ =	sdelay $0x4  }
0x39: {  	[tilespmem:v3+s10+$0x0] =	vst.idx.add.f32.msk $0xffff, v2  }
0x3a: {  	v3 =	vld [tilespmem:$0x8860];
	_ =	sdelay $0x4  }
0x3b: {  	v3 =	vshrl.u32 v3, $0x10  }
0x3c: {  	v3 =	vand.u32 $0x7FF0, v3  }
0x3d: {  	v3 =	vor.u32 v1, v3;
	_ =	sdelay $0x4  }
0x3e: {  	[tilespmem:v3+s10+$0x0] =	vst.idx.add.f32.msk $0xffff, v2  }
0x3f: {  	[hbm4b:s5+s11] =	stream.strided.scatter [tilespmem:s10], [sflag:$0x1], $0x8000, s12, s11, $0x38;
	[tilespmem:$0x18900] =	vst v63  }
0x40: {  	s14 =	sadd.s32 $0x1, s14;
	_ =	swait.ge [sflag:s9], $0x8000  }
0x41: {  	p0 =	sne.s32 s14, s7;
	[sflag:s9] =	ssyncset.done $0x0  }
.Ltmp1:
0x42: {  	[sflag:s9] =	ssyncadd.s32 $0xFFFF8000;
	(pc) =	sbr.rel @p0 .LBB2_1-.Ltmp1, $4  }
0x43: {  	[hbm4b:s6+s11] =	stream.strided.scatter [tilespmem:s13], [sflag:$0x1], $0x8000, s12, s11, $0x38;
	[tilespmem:$0x18900] =	vst v63  }
0x44: {  	_ =	swait.ge [sflag:s9], $0x8000  }
0x45: {  	[sflag:s9] =	ssyncset.done $0x0  }
0x46: {  	[sflag:s9] =	ssyncadd.s32 $0xFFFF8000  }
0x47: {  	_ =	sfence.sel $0x180000  }
0x48: {  	[bflag:$0x0] =	sbarrier.arrive $0xFFFF  }
0x49: {  	p0 =	sne.s32 s1, $0x0;
	_ =	strace $0x90000047  }
0x4a: {  	s0 =	sadd.s32 @!p0 $0x100000, s0;
	[bflag:$0x2] =	sbarrier.arrive $0xFFFF  }
0x4b: {  	[sflag:s0] =	ssyncadd.tile.s32 @!p0 $0x1;
	_ =	shalt  }
.Lfunc_end2:
_tile_overlayer_lowered:
.L_overlay_start_2:
0x4c: {  	(tag) =	ssettag $0x2  }
0x4d: {  	s0 =	rddreg [dreg:$0x0];
	s2 =	stileid.u32  }
0x4e: {  	s1 =	rddreg [dreg:$0x1];
	p0 =	sne.s32 s2, $0x0  }
0x4f: {  	s3 =	rddreg [dreg:$0x2];
	[bflag:$0x3] =	sbarrier.arrive $0xFFFF;
	s2 =	simm.s32 @!p0 $0x1C01  }
0x50: {  	[timem:s3], [sflag:s2] =	dma.local @!p0 [hbm:s0], s1  }
0x51: {  	s0 =	simm.s32 @!p0 $0x1  }
0x52: {  	_ =	swait.ge @!p0 [sflag:s0], s1  }
0x53: {  	s1 =	ssub.s32 @!p0 $0x0, s1;
	[sflag:s0] =	ssyncset.done @!p0 $0x0  }
0x54: {  	[sflag:s0] =	ssyncadd.s32 @!p0 s1  }
0x55: {  	[bflag:$0x3] =	sbarrier.arrive $0xFFFF  }
0x56: {  	_ =	shalt  }

// kernel: kernel.8.cloned.1.call-start
scs
__scs_entry_jumppad:
0x0: {  	(pc) =	sbr.rel $0x88, $3  }
0x1: {  	(tag) =	ssettag $0x0;
	lr =	simm.s32 $0x1  }
0x2: {  	[smem:$0x3F9C] =	sst lr;
	_ =	strace $0xD0000000  }
0x3: {  	_ = 	snop  }
0x4: {  	_ = 	snop  }
0x5: {  	_ = 	snop  }
0x6: {  	_ = 	snop  }
0x7: {  	_ = 	snop  }
__scs_overlays_trampoline_lowered:
0x8: {  	[smem:$0x3FAB] =	sst s0  }
0x9: {  	[smem:$0x3FAC] =	sst s1  }
0xa: {  	[smem:$0x3FAD] =	sst s2  }
0xb: {  	[smem:$0x3FAE] =	sst s3  }
0xc: {  	[smem:$0x3FAF] =	sst s4  }
0xd: {  	[smem:$0x3FB0] =	sst s5  }
0xe: {  	[smem:$0x3FB1] =	sst s6  }
0xf: {  	[smem:$0x3FB2] =	sst s7  }
0x10: {  	[smem:$0x3FB3] =	sst s8  }
0x11: {  	[smem:$0x3FB4] =	sst s9;
	s0 =	simm.s32 @!p0 $0x0  }
0x12: {  	s1 =	sld [smem:$0x3F9A];
	s0 =	simm.s32 @p0 $0x1  }
0x13: {  	[smem:$0x3FB5] =	sst s0;
	s0 =	simm.s32 @!p1 $0x0  }
0x14: {  	s2 =	sld [smem:$0x3F99];
	s0 =	simm.s32 @p1 $0x1  }
0x15: {  	[smem:$0x3FB6] =	sst s0;
	s0 =	simm.s32 @!p2 $0x0  }
0x16: {  	s3 =	sld [smem:$0x3FDB];
	s0 =	simm.s32 @p2 $0x1  }
0x17: {  	s4 =	simm.s32 $0x1BF5;
	[smem:$0x3FB8] =	sst s0  }
0x18: {  	s0 =	sld [smem:$0x3F9B];
	_ =	swait.ge [sflag:s4], $0x0  }
0x19: {  	s7 =	sld [smem:$0x3F9C]  }
0x1a: {  	s8 =	sadd.s32 $0xFFFFE003, lr  }
0x1b: {  	s9 =	sadd.s32 $0xFFFFFEF7, lr;
	s5 =	simm.s32 $0xFFFFFFFF;
	p2 =	slt.u32 s8, $0xFFFFF086  }
0x1c: {  	p1 =	slt.u32 s9, $0xF7A;
	s5 =	simm.s32 @!p2 $0x0  }
0x1d: {  	s5 =	simm.s32 @p1 $0x1;
	p0 =	seq.s32 s7, s2  }
0x1e: {  	s7 =	smul.u32 @!p0 $0xF7A, s2;
	p2 =	seq.s32 @!p0 s5, $0x0  }
0x1f: {  	s9 =	smul.u32 $0xF7A, s1;
	s8 =	simm.s32 @!p0 $0x1BF5;
	p2 =	por !p2, p0  }
0x20: {  	[sflag:s8] =	ssyncset.s32 @!p0 $0xFFFFF086;
	s6 =	sadd.s32 @!p0 s3, s7;
	s7 =	simm.s32 @!p0 $0x108  }
0x21: {  	s3 =	sadd.s32 s3, s9;
	s6 =	sadd.s32 @!p0 $0x88, s6;
	s7 =	simm.s32 @p2 $0x1082  }
0x22: {  	[simem:s7], [sflag:s8] =	dma.local @!p0 [hbm:s6], $0xF7A  }
0x23: {  	s9 =	sor.u32 $0xD0000000, s2;
	s6 =	simm.s32 $0x108;
	_ =	swait.ge @!p0 [sflag:s8], $0x0  }
0x24: {  	s3 =	sadd.s32 $0x88, s3;
	s6 =	simm.s32 @!p1 $0x1082;
	[sflag:s4] =	ssyncset.s32 $0xFFFFF086  }
0x25: {  	[simem:s6], [sflag:s4] =	dma.local [hbm:s3], $0xF7A  }
0x26: {  	[smem:$0x3F9C] =	sst s1;
	(tag) =	ssettag s2;
	_ =	strace s9  }
0x27: {  	s1 =	sld [smem:$0x3FAC]  }
0x28: {  	s2 =	sld [smem:$0x3FAD]  }
0x29: {  	s4 =	sld [smem:$0x3FAF]  }
0x2a: {  	p0 =	seq.s32 s5, $0x0;
	s5 =	sld [smem:$0x3FB0]  }
0x2b: {  	s6 =	sld [smem:$0x3FB1]  }
0x2c: {  	s7 =	sld [smem:$0x3FB2]  }
0x2d: {  	s3 =	simm.s32 $0x108;
	s8 =	sld [smem:$0x3FB3]  }
0x2e: {  	s3 =	simm.s32 @!p0 $0x1082;
	s9 =	sld [smem:$0x3FB4]  }
0x2f: {  	lr =	sadd.s32 s0, s3;
	s0 =	sld [smem:$0x3FAB]  }
0x30: {  	s3 =	sld [smem:$0x3FAE]  }
0x31: {  	[smem:$0x3FB7] =	sst s10  }
0x32: {  	s10 =	sld [smem:$0x3FB5];
	_ =	sdelay $0x3  }
0x33: {  	p0 =	seq.s32 s10, $0x1;
	s10 =	sld [smem:$0x3FB7];
	_ =	sdelay $0x3  }
0x34: {  	[smem:$0x3FB7] =	sst s10  }
0x35: {  	s10 =	sld [smem:$0x3FB6];
	_ =	sdelay $0x3  }
0x36: {  	p1 =	seq.s32 s10, $0x1;
	s10 =	sld [smem:$0x3FB7];
	_ =	sdelay $0x3  }
0x37: {  	[smem:$0x3FB7] =	sst s10  }
0x38: {  	s10 =	sld [smem:$0x3FB8]  }
0x39: {  	_ = 	snop;
	(pc) =	sbr.ind lr, $3  }
0x3a: {  	_ = 	snop  }
0x3b: {  	_ = 	snop  }
0x3c: {  	p2 =	seq.s32 s10, $0x1;
	s10 =	sld [smem:$0x3FB7]  }
0x3d: {  	_ =	shalt  }
0x3e: {  	_ =	shalt  }
0x3f: {  	_ =	shalt  }
0x40: {  	_ =	shalt  }
0x41: {  	_ =	shalt  }
0x42: {  	_ =	shalt  }
0x43: {  	_ =	shalt  }
0x44: {  	_ =	shalt  }
0x45: {  	_ =	shalt  }
0x46: {  	_ =	shalt  }
0x47: {  	_ =	shalt  }
0x48: {  	_ =	shalt  }
0x49: {  	_ =	shalt  }
0x4a: {  	_ =	shalt  }
0x4b: {  	_ =	shalt  }
0x4c: {  	_ =	shalt  }
0x4d: {  	_ =	shalt  }
0x4e: {  	_ =	shalt  }
0x4f: {  	_ =	shalt  }
0x50: {  	_ =	shalt  }
0x51: {  	_ =	shalt  }
0x52: {  	_ =	shalt  }
0x53: {  	_ =	shalt  }
0x54: {  	_ =	shalt  }
0x55: {  	_ =	shalt  }
0x56: {  	_ =	shalt  }
0x57: {  	_ =	shalt  }
0x58: {  	_ =	shalt  }
0x59: {  	_ =	shalt  }
0x5a: {  	_ =	shalt  }
0x5b: {  	_ =	shalt  }
0x5c: {  	_ =	shalt  }
0x5d: {  	_ =	shalt  }
0x5e: {  	_ =	shalt  }
0x5f: {  	_ =	shalt  }
0x60: {  	_ =	shalt  }
0x61: {  	_ =	shalt  }
0x62: {  	_ =	shalt  }
0x63: {  	_ =	shalt  }
0x64: {  	_ =	shalt  }
0x65: {  	_ =	shalt  }
0x66: {  	_ =	shalt  }
0x67: {  	_ =	shalt  }
0x68: {  	_ =	shalt  }
0x69: {  	_ =	shalt  }
0x6a: {  	_ =	shalt  }
0x6b: {  	_ =	shalt  }
0x6c: {  	_ =	shalt  }
0x6d: {  	_ =	shalt  }
0x6e: {  	_ =	shalt  }
0x6f: {  	_ =	shalt  }
0x70: {  	_ =	shalt  }
0x71: {  	_ =	shalt  }
0x72: {  	_ =	shalt  }
0x73: {  	_ =	shalt  }
0x74: {  	_ =	shalt  }
0x75: {  	_ =	shalt  }
0x76: {  	_ =	shalt  }
0x77: {  	_ =	shalt  }
0x78: {  	_ =	shalt  }
0x79: {  	_ =	shalt  }
0x7a: {  	_ =	shalt  }
0x7b: {  	_ =	shalt  }
0x7c: {  	_ =	shalt  }
0x7d: {  	_ =	shalt  }
0x7e: {  	_ =	shalt  }
0x7f: {  	_ =	shalt  }
0x80: {  	_ =	shalt  }
0x81: {  	_ =	shalt  }
0x82: {  	_ =	shalt  }
0x83: {  	_ =	shalt  }
0x84: {  	_ =	shalt  }
0x85: {  	_ =	shalt  }
0x86: {  	_ =	shalt  }
0x87: {  	_ =	shalt  }
.Lfunc_end0:
.L_simem_size_0:
called_computation.1_lowered:
.L_overlay_start_0:
0x88: {  	s2 =	sld [smem:$0x3FD9]  }
0x89: {  	s3 =	sld [smem:$0x3FFE];
	_ =	sdelay $0x1  }
0x8a: {  	s1 =	srdreg.scid  }
0x8b: {  	s0 =	sand.u32 $0x1, s1  }
0x8c: {  	s16 =	sshll.u32 s0, $0xA;
	s2 =	sadd.s32 s3, s2  }
0x8d: {  	s2 =	sadd.s32 s2, s16  }
0x8e: {  	[smem:$0x3FC3] =	sst s2  }
0x8f: {  	_ = 	snop  }
0x90: {  	(tm) =	ssettm $0x1  }
0x91: {  	s17 =	sld [smem:$0x3FFB];
	_ =	sdelay $0x3  }
0x92: {  	_ =	strace s17  }
0x93: {  	s2 =	sld [smem:$0x3FFC];
	_ =	sdelay $0x3  }
0x94: {  	_ =	strace s2  }
0x95: {  	s2 =	sld [smem:$0x3FFD];
	_ =	sdelay $0x3  }
0x96: {  	_ =	strace s2  }
0x97: {  	_ =	strace $0x8FFFFFFF  }
0x98: {  	s18 =	sld [smem:$0x3FDB];
	_ =	sdelay $0x1  }
0x99: {  	s19 =	simm.s32 $_scs_section_size  }
0x9a: {  	s4 =	simm.s32 $_size__tile_overlayer_lowered;
	s5 =	simm.s32 $_tile_overlayer_lowered  }
0x9b: {  	s22 =	simm.s32 $0x1BFF;
	s21 =	sshll.u32 s5, $0x1;
	s2 =	sadd.s32 s19, s18  }
0x9c: {  	s6 =	simm.s32 $0x0;
	s20 =	sshll.u32 s4, $0x1;
	s4 =	sadd.s32 s21, s2  }
0x9d: {  	[timem:s6], [sflag:s22] =	dma.local [hbm:s4], s20  }
0x9e: {  	_ =	swait.ge [sflag:s22], s20  }
0x9f: {  	s3 =	ssub.s32 $0x0, s20;
	[sflag:s22] =	ssyncset.done $0x0  }
0xa0: {  	[sflag:s22] =	ssyncadd.s32 s3;
	_ =	sdelay $0x1  }
0xa1: {  	s23 =	simm.s32 $0x1B8B  }
0xa2: {  	_ =	swait.ge [sflag:s23], $0x1  }
0xa3: {  	[sflag:s23] =	ssyncset.done $0x0  }
0xa4: {  	s25 =	simm.s32 $0x1B8E;
	s24 =	sld [smem:$0x3FFE];
	[sflag:s23] =	ssyncadd.s32 $0xFFFFFFFF  }
0xa5: {  	s26 =	simm.s32 $execute0_lowered;
	[smem:$0x3FD2] =	sst s25  }
0xa6: {  	s4 =	sshll.u32 s26, $0x1;
	_ =	strace $0x80000049;
	[dreg:$0x1] =	wrdreg $0xFFFFFFFF  }
0xa7: {  	s28 =	simm.s32 $_size_execute0_lowered;
	s2 =	sadd.s32 s2, s4;
	[dreg:$0x0] =	wrdreg $0x0  }
0xa8: {  	s4 =	sshll.u32 s28, $0x1;
	[dreg:$0x2] =	wrdreg s2  }
0xa9: {  	[dreg:$0x3] =	wrdreg s4  }
0xaa: {  	[dreg:$0x4] =	wrdreg $0xC0  }
0xab: {  	_ =	task [dreg:s6], $0x5FFFF  }
0xac: {  	[dreg:$0x1] =	wrdreg $0xFFFFFFFF  }
0xad: {  	[dreg:$0x0] =	wrdreg $0x60  }
0xae: {  	[dreg:$0x2] =	wrdreg s24  }
0xaf: {  	[dreg:$0x3] =	wrdreg $0x9  }
0xb0: {  	_ =	task.clear_ibuf [dreg:s6], $0x4FFFF;
	_ =	strace $0x90000049  }
0xb1: {  	s29 =	simm.s32 $0x9;
	_ =	strace $0x8000004B  }
0xb2: {  	_ =	swait.ge [sflag:s29], $0x1  }
0xb3: {  	[sflag:s29] =	ssyncadd.s32 $0xFFFFFFFF  }
0xb4: {  	_ =	strace $0x9000004B  }
0xb5: {  	_ =	sfence  }
0xb6: {  	s30 =	sld [smem:$0x0];
	_ =	sdelay $0x2  }
0xb7: {  	s31 =	sshll.u32 s1, $0xD;
	s1 =	sshrl.u32 s1, $0x2  }
0xb8: {  	s3 =	sand.u32 $0x4000, s31;
	s1 =	sadd.s32 s1, s30  }
0xb9: {  	s0 =	sor.u32 s3, s0;
	s1 =	sshll.u32 s1, $0x11  }
0xba: {  	s0 =	sor.u32 s1, s0  }
0xbb: {  	s0 =	sadd.s32 $0x8F2B, s0  }
0xbc: {  	[sflag:s0] =	ssyncadd.remote.s32 $0x1  }
0xbd: {  	_ =	sfence.sel $0xFFFF  }
0xbe: {  	[dreg:$0x0] =	wrdreg $0xFFFFFFFF;
	(pc) =	sbr.abs _section_cstart, $3  }
0xbf: {  	[dreg:$0x1] =	wrdreg $0xFFFFFFFF  }
0xc0: {  	_ =	task.clear_ibuf [dreg:s6], $0x2FFFF;
	_ =	strace $0x9FFFFFFF  }
0xc1: {  	(tm) =	ssettm $0x7FFFFFFF  }
tec
execute0_lowered:
.L_overlay_start_1:
0x0: {  	(tag) =	ssettag $0x1  }
0x1: {  	s4 =	rddreg [dreg:$0x0]  }
0x2: {  	s0 =	rddreg [dreg:$0x1];
	s2 =	simm.s32 $0x0  }
0x3: {  	s1 =	stileid.u32;
	s3 =	srdreg.scid;
	s10 =	simm.s32 $0x8900  }
0x4: {  	s11 =	simm.s32 $0x80;
	s12 =	simm.s32 $0x100;
	s13 =	simm.s32 $0x10900  }
0x5: {  	s14 =	simm.s32 $0x0;
	[smem:$0x7FF] =	sst s2;
	s5 =	sshll.u32 s1, $0x4  }
0x6: {  	s3 =	sand.u32 $0x1, s3;
	s6 =	smul.u32 $0xAA8C0, s1;
	s8 =	sshll.u32 s1, $0xE  }
0x7: {  	_ =	strace $0x8000004A;
	s7 =	smul.u32 $0x55460, s3;
	s9 =	sshll.u32 s3, $0xD  }
0x8: {  	s5 =	sadd.s32 s5, s4;
	s3 =	ssub.s32 $0x2, s3;
	s8 =	sor.u32 s9, s8  }
0x9: {  	s29 =	sshrl.u32 s3, $0x1;
	s9 =	simm.s32 $0x1;
	s6 =	sadd.s32 s7, s6  }
0xa: {  	s30 =	sadd.s32 s8, s4;
	s31 =	ssub.s32 s3, s29;
	s3 =	sadd.s32 $0x155200, s5  }
0xb: {  	s8 =	simm.s32 $0x8880;
	s6 =	sshrl.u32 s6, $0x3;
	s5 =	sadd.s32 $0x155400, s30  }
0xc: {  	v0 =	vimm.f32 $0.0e+00;
	v1 =	vlaneseq.u32;
	v2 =	vimm.f32 $1.000000000e+00;
	s7 =	smax.u32 s31, $0x1;
	s4 =	sadd.s32 s4, s6;
	s6 =	sadd.s32 $0x155410, s30  }
.LBB2_1:
0xd: {  	s15 =	simm.s32 $0x40;
	s16 =	simm.s32 $0x0  }
.LBB2_2:
0xe: {  	p0 =	sne.s32 s15, $0x1FFC0;
	[tilespmem:s16+$0x8900] =	vst v0;
	s17 =	smov.u32 s15;
	s15 =	sadd.s32 $0x40, s15  }
.Ltmp0:
0xf: {  	[tilespmem:s16+$0x10900] =	vst v0;
	(pc) =	sbr.rel @p0 .LBB2_2-.Ltmp0, $2  }
0x10: {  	_ =	sdelay $0x2  }
0x11: {  	s16 =	sshra.s32 s17, $0x2  }
0x12: {  	[tilespmem:s16+$0x8900] =	vst v0  }
0x13: {  	[tilespmem:s16+$0x10900] =	vst v0  }
0x14: {  	[tilespmem:s8], [sflag:$0x1] =	stream.linear.gather [hbm4b:s3+s2], $0x80, $0x38;
	[tilespmem:$0x18900] =	vst v63  }
0x15: {  	_ =	swait.ge [sflag:s9], $0x80  }
0x16: {  	[sflag:s9] =	ssyncset.done $0x0  }
0x17: {  	[sflag:s9] =	ssyncadd.s32 $0xFFFFFF80  }
0x18: {  	v3 =	vld [tilespmem:$0x8880];
	[tilespmem:s2], [sflag:$0x1] =	stream.linear.gather [hbm4b:s4+s2], $0x8870, $0x38  }
0x19: {  	_ =	swait.ge [sflag:s9], $0x8870  }
0x1a: {  	[sflag:s9] =	ssyncset.done $0x0  }
0x1b: {  	[sflag:s9] =	ssyncadd.s32 $0xFFFF7790  }
0x1c: {  	v4 =	vld [tilespmem:$0x0];
	_ =	sdelay $0x4  }
0x1d: {  	v5 =	vshrl.u32 v4, $0x5;
	v4 =	vshra.s32 v4, $0x14  }
0x1e: {  	vm0 =	veq.s32 v4, v3;
	v52 =	vand.u32 $0x7FF0, v5  }
0x1f: {  	v4 =	vor.u32 v1, v52;
	_ =	sdelay $0x4  }
0x20: {  	[tilespmem:v4+s10+$0x0] =	vst.idx.add.f32.msk vm0, v2  }
0x21: {  	v4 =	vld [tilespmem:$0x10];
	_ =	sdelay $0x4  }
0x22: {  	v53 =	vshrl.u32 v4, $0x5;
	v4 =	vshra.s32 v4, $0x14  }
0x23: {  	vm10 =	veq.s32 v4, v3;
	v54 =	vand.u32 $0x7FF0, v53  }
0x24: {  	v4 =	vor.u32 v1, v54;
	_ =	sdelay $0x4  }
0x25: {  	[tilespmem:v4+s10+$0x0] =	vst.idx.add.f32.msk vm10, v2  }
0x26: {  	v4 =	vld [tilespmem:$0x20];
	_ =	sdelay $0x4  }
0x27: {  	v55 =	vshrl.u32 v4, $0x5;
	v4 =	vshra.s32 v4, $0x14  }
0x28: {  	vm11 =	veq.s32 v4, v3;
	v56 =	vand.u32 $0x7FF0, v55  }
0x29: {  	v4 =	vor.u32 v1, v56;
	_ =	sdelay $0x4  }
0x2a: {  	[tilespmem:v4+s10+$0x0] =	vst.idx.add.f32.msk vm11, v2  }
0x2b: {  	v4 =	vld [tilespmem:$0x30];
	_ =	sdelay $0x4  }
0x2c: {  	v57 =	vshrl.u32 v4, $0x5;
	v4 =	vshra.s32 v4, $0x14  }
0x2d: {  	vm12 =	veq.s32 v4, v3;
	v58 =	vand.u32 $0x7FF0, v57  }
0x2e: {  	v4 =	vor.u32 v1, v58;
	_ =	sdelay $0x4  }
0x2f: {  	[tilespmem:v4+s10+$0x0] =	vst.idx.add.f32.msk vm12, v2  }
0x30: {  	v4 =	vld [tilespmem:$0x8840];
	_ =	sdelay $0x4  }
0x31: {  	v59 =	vshrl.u32 v4, $0x5;
	v4 =	vshra.s32 v4, $0x14  }
0x32: {  	vm13 =	veq.s32 v4, v3;
	v60 =	vand.u32 $0x7FF0, v59  }
0x33: {  	v4 =	vor.u32 v1, v60;
	_ =	sdelay $0x4  }
0x34: {  	[tilespmem:v4+s10+$0x0] =	vst.idx.add.f32.msk vm13, v2  }
0x35: {  	v4 =	vld [tilespmem:$0x8850];
	_ =	sdelay $0x4  }
0x36: {  	v61 =	vshrl.u32 v4, $0x5;
	v4 =	vshra.s32 v4, $0x14  }
0x37: {  	vm14 =	veq.s32 v4, v3;
	v62 =	vand.u32 $0x7FF0, v61  }
0x38: {  	v4 =	vor.u32 v1, v62;
	_ =	sdelay $0x4  }
0x39: {  	[tilespmem:v4+s10+$0x0] =	vst.idx.add.f32.msk vm14, v2  }
0x3a: {  	v4 =	vld [tilespmem:$0x8860];
	_ =	sdelay $0x4  }
0x3b: {  	v63 =	vshrl.u32 v4, $0x5;
	v4 =	vshra.s32 v4, $0x14  }
0x3c: {  	vm15 =	veq.s32 v4, v3;
	v3 =	vand.u32 $0x7FF0, v63  }
0x3d: {  	v3 =	vor.u32 v1, v3;
	_ =	sdelay $0x4  }
0x3e: {  	[tilespmem:v3+s10+$0x0] =	vst.idx.add.f32.msk vm15, v2  }
0x3f: {  	[hbm4b:s5+s11] =	stream.strided.scatter [tilespmem:s10], [sflag:$0x1], $0x8000, s12, s11, $0x38;
	[tilespmem:$0x18900] =	vst v63  }
0x40: {  	s14 =	sadd.s32 $0x1, s14;
	_ =	swait.ge [sflag:s9], $0x8000  }
0x41: {  	p0 =	sne.s32 s14, s7;
	[sflag:s9] =	ssyncset.done $0x0  }
.Ltmp1:
0x42: {  	[sflag:s9] =	ssyncadd.s32 $0xFFFF8000;
	(pc) =	sbr.rel @p0 .LBB2_1-.Ltmp1, $4  }
0x43: {  	[hbm4b:s6+s11] =	stream.strided.scatter [tilespmem:s13], [sflag:$0x1], $0x8000, s12, s11, $0x38;
	[tilespmem:$0x18900] =	vst v63  }
0x44: {  	_ =	swait.ge [sflag:s9], $0x8000  }
0x45: {  	[sflag:s9] =	ssyncset.done $0x0  }
0x46: {  	[sflag:s9] =	ssyncadd.s32 $0xFFFF8000  }
0x47: {  	_ =	sfence.sel $0x180000  }
0x48: {  	[bflag:$0x0] =	sbarrier.arrive $0xFFFF  }
0x49: {  	p0 =	sne.s32 s1, $0x0;
	_ =	strace $0x9000004A  }
0x4a: {  	s0 =	sadd.s32 @!p0 $0x100000, s0;
	[bflag:$0x2] =	sbarrier.arrive $0xFFFF  }
0x4b: {  	[sflag:s0] =	ssyncadd.tile.s32 @!p0 $0x1;
	_ =	shalt  }
.Lfunc_end2:
_tile_overlayer_lowered:
.L_overlay_start_2:
0x4c: {  	(tag) =	ssettag $0x2  }
0x4d: {  	s0 =	rddreg [dreg:$0x0];
	s2 =	stileid.u32  }
0x4e: {  	s1 =	rddreg [dreg:$0x1];
	p0 =	sne.s32 s2, $0x0  }
0x4f: {  	s3 =	rddreg [dreg:$0x2];
	[bflag:$0x3] =	sbarrier.arrive $0xFFFF;
	s2 =	simm.s32 @!p0 $0x1C01  }
0x50: {  	[timem:s3], [sflag:s2] =	dma.local @!p0 [hbm:s0], s1  }
0x51: {  	s0 =	simm.s32 @!p0 $0x1  }
0x52: {  	_ =	swait.ge @!p0 [sflag:s0], s1  }
0x53: {  	s1 =	ssub.s32 @!p0 $0x0, s1;
	[sflag:s0] =	ssyncset.done @!p0 $0x0  }
0x54: {  	[sflag:s0] =	ssyncadd.s32 @!p0 s1  }
0x55: {  	[bflag:$0x3] =	sbarrier.arrive $0xFFFF  }
0x56: {  	_ =	shalt  }

</sc_bundles>
